<compile_context>
chip_gen: v7x
topology: tpu7x:2x2x1
jax: 0.10.2.dev20260603
libtpu: 0.0.44.dev20260713+nightly
codegen_flags: <defaults>
</compile_context>

<pallas_src>
import functools

import jax
import jax.numpy as jnp
from jax import lax
from jax.experimental import pallas as pl
from jax.experimental.pallas import tpu as pltpu
from jax.experimental.pallas import tpu_sc as plsc

_F32 = jnp.float32
_CHUNK = 128
_DC = 16



def _tc_layer1(x, wl_t, wr_t, b1, bn):
    n, d_in = x.shape
    d_hid = wl_t.shape[1]

    def body(x_ref, wl_ref, wr_ref, b_ref, y1_ref, r1_ref):
        xb = x_ref[...]
        y1_ref[...] = jnp.dot(xb, wl_ref[...], preferred_element_type=_F32)
        r1_ref[...] = jnp.dot(xb, wr_ref[...], preferred_element_type=_F32) + b_ref[...]

    return pl.pallas_call(
        body,
        grid=(n // bn,),
        in_specs=[
            pl.BlockSpec((bn, d_in), lambda i: (i, 0)),
            pl.BlockSpec((d_in, d_hid), lambda i: (0, 0)),
            pl.BlockSpec((d_in, d_hid), lambda i: (0, 0)),
            pl.BlockSpec((1, d_hid), lambda i: (0, 0)),
        ],
        out_specs=[
            pl.BlockSpec((bn, d_hid), lambda i: (i, 0)),
            pl.BlockSpec((bn, d_hid), lambda i: (i, 0)),
        ],
        out_shape=[
            jax.ShapeDtypeStruct((n, d_hid), _F32),
            jax.ShapeDtypeStruct((n, d_hid), _F32),
        ],
    )(x, wl_t, wr_t, b1)


def _tc_layer2(zp1, cp1, r1, wl_t, wr_t, b2, bn):
    n, d_hid = r1.shape
    d_out = wl_t.shape[1]

    def body(zp_ref, cp_ref, r1_ref, wl_ref, wr_ref, b_ref,
             y2_ref, r2_ref, inv_ref):
        zs = zp_ref[0] + zp_ref[1]
        cs = cp_ref[0] + cp_ref[1]
        cnt = jnp.max(cs, axis=1, keepdims=True)
        inv = 1.0 / jnp.maximum(cnt, 1.0)
        h = jnp.maximum(zs * inv + r1_ref[...], 0.0)
        y2_ref[...] = jnp.dot(h, wl_ref[...], preferred_element_type=_F32)
        r2_ref[...] = jnp.dot(h, wr_ref[...], preferred_element_type=_F32) + b_ref[...]
        inv_ref[...] = jnp.broadcast_to(inv, (inv.shape[0], d_out))

    return pl.pallas_call(
        body,
        grid=(n // bn,),
        in_specs=[
            pl.BlockSpec((2, bn, d_hid), lambda i: (0, i, 0)),
            pl.BlockSpec((2, bn, _DC), lambda i: (0, i, 0)),
            pl.BlockSpec((bn, d_hid), lambda i: (i, 0)),
            pl.BlockSpec((d_hid, d_out), lambda i: (0, 0)),
            pl.BlockSpec((d_hid, d_out), lambda i: (0, 0)),
            pl.BlockSpec((1, d_out), lambda i: (0, 0)),
        ],
        out_specs=[
            pl.BlockSpec((bn, d_out), lambda i: (i, 0)),
            pl.BlockSpec((bn, d_out), lambda i: (i, 0)),
            pl.BlockSpec((bn, d_out), lambda i: (i, 0)),
        ],
        out_shape=[
            jax.ShapeDtypeStruct((n, d_out), _F32),
            jax.ShapeDtypeStruct((n, d_out), _F32),
            jax.ShapeDtypeStruct((n, d_out), _F32),
        ],
    )(zp1, cp1, r1, wl_t, wr_t, b2)


def _tc_final(zp2, inv, r2, bn):
    n, d_out = r2.shape

    def body(zp_ref, inv_ref, r2_ref, out_ref):
        out_ref[...] = (zp_ref[0] + zp_ref[1]) * inv_ref[...] + r2_ref[...]

    return pl.pallas_call(
        body,
        grid=(n // bn,),
        in_specs=[
            pl.BlockSpec((2, bn, d_out), lambda i: (0, i, 0)),
            pl.BlockSpec((bn, d_out), lambda i: (i, 0)),
            pl.BlockSpec((bn, d_out), lambda i: (i, 0)),
        ],
        out_specs=pl.BlockSpec((bn, d_out), lambda i: (i, 0)),
        out_shape=jax.ShapeDtypeStruct((n, d_out), _F32),
    )(zp2, inv, r2)



def _sc_agg(n_acc, d, k0, k1, nc, ns, with_count):
    rps = n_acc // ns
    kmax = max(k0, k1)
    mesh = plsc.VectorSubcoreMesh(core_axis_name="c", subcore_axis_name="s")
    out_type = [jax.ShapeDtypeStruct((nc, n_acc, d), _F32)]
    scratch = [
        pltpu.VMEM((kmax, _CHUNK), jnp.int32),
        pltpu.VMEM((kmax, _CHUNK), jnp.int32),
        pltpu.VMEM((2, _CHUNK, d), _F32),
        pltpu.VMEM((rps, d), _F32),
        pltpu.VMEM_SHARED((n_acc, d), _F32),
        pltpu.SemaphoreType.DMA,
        pltpu.SemaphoreType.DMA,
    ]
    if with_count:
        out_type.append(jax.ShapeDtypeStruct((nc, n_acc, _DC), _F32))
        scratch += [
            pltpu.VMEM((_CHUNK, _DC), _F32),
            pltpu.VMEM((rps, _DC), _F32),
            pltpu.VMEM_SHARED((n_acc, _DC), _F32),
        ]

    @functools.partial(
        pl.kernel,
        out_type=out_type,
        mesh=mesh,
        scratch_types=scratch,
        compiler_params=pltpu.CompilerParams(use_tc_tiling_on_sc=False),
    )
    def agg(y_hbm, src_hbm, dst_hbm, *rest):
        if with_count:
            (out_hbm, cout_hbm, srcv, dstv, rows, zbuf, acc,
             sem0, sem1, ones, czbuf, cacc) = rest
        else:
            out_hbm, srcv, dstv, rows, zbuf, acc, sem0, sem1 = rest
        sems = (sem0, sem1)
        c = lax.axis_index("c")
        s = lax.axis_index("s")
        base = jnp.where(c == 0, s * k0, ns * k0 + s * k1)
        kc = jnp.where(c == 0, k0, k1)

        with jax.named_scope("agg_stage_idx"):
            pltpu.sync_copy(src_hbm.at[pl.ds(base, kmax)], srcv)
            pltpu.sync_copy(dst_hbm.at[pl.ds(base, kmax)], dstv)
            for p in range(2):
                pltpu.async_copy(y_hbm.at[srcv.at[p]], rows.at[p], sems[p])

        with jax.named_scope("agg_zero"):
            def zrow(i, carry):
                for k in range(d // 16):
                    zbuf[i, pl.ds(k * 16, 16)] = jnp.zeros((16,), _F32)
                if with_count:
                    czbuf[i, pl.ds(0, _DC)] = jnp.zeros((_DC,), _F32)
                return carry
            lax.fori_loop(0, rps, zrow, 0)
            pltpu.sync_copy(zbuf, acc.at[pl.ds(s * rps, rps)])
            if with_count:
                def orow(i, carry):
                    ones[i, pl.ds(0, _DC)] = jnp.ones((_DC,), _F32)
                    return carry
                lax.fori_loop(0, _CHUNK, orow, 0)
                pltpu.sync_copy(czbuf, cacc.at[pl.ds(s * rps, rps)])
            plsc.subcore_barrier()

        with jax.named_scope("agg_main"):
            def pair(jj, carry):
                for p in range(2):
                    j = 2 * jj + p
                    pltpu.make_async_copy(
                        y_hbm.at[srcv.at[j]], rows.at[p], sems[p]).wait()
                    pltpu.sync_copy(rows.at[p], acc.at[dstv.at[j]], add=True)
                    if with_count:
                        pltpu.sync_copy(ones, cacc.at[dstv.at[j]], add=True)

                    @pl.when(j + 2 < kc)
                    def _refill():
                        pltpu.async_copy(
                            y_hbm.at[srcv.at[j + 2]], rows.at[p], sems[p])
                return carry
            lax.fori_loop(0, kc // 2, pair, 0)
            plsc.subcore_barrier()

        with jax.named_scope("agg_flush"):
            pltpu.sync_copy(acc.at[pl.ds(s * rps, rps)], zbuf)
            pltpu.sync_copy(zbuf, out_hbm.at[c, pl.ds(s * rps, rps)])
            if with_count:
                pltpu.sync_copy(cacc.at[pl.ds(s * rps, rps)], czbuf)
                pltpu.sync_copy(czbuf, cout_hbm.at[c, pl.ds(s * rps, rps)])

    return agg



def kernel(x, edge_index, W1l, b1, W1r, W2l, b2, W2r):
    n, d_in = x.shape
    e = edge_index.shape[1]
    d_hid = W1l.shape[0]
    d_out = W2l.shape[0]

    info = plsc.get_sparse_core_info()
    nc, ns = info.num_cores, info.num_subcores
    nw = nc * ns

    cpw = -(-e // (nw * _CHUNK))
    cpw += cpw % 2
    e_pad = nw * cpw * _CHUNK
    k0_2, k1_2 = 94, 66
    assert k0_2 + k1_2 == 2 * cpw
    slack = max(k0_2, k1_2) - cpw
    n_acc = -(-(n + 1) // 128) * 128
    src = edge_index[0]
    dst = edge_index[1]
    pad = e_pad - e + slack * _CHUNK
    dummy = n + jnp.arange(pad, dtype=jnp.int32) % (n_acc - n)
    src2d = jnp.concatenate(
        [src, jnp.zeros((pad,), jnp.int32)]).reshape(nw * cpw + slack, _CHUNK)
    dst2d = jnp.concatenate([dst, dummy]).reshape(nw * cpw + slack, _CHUNK)

    bn = 1000
    y1, r1 = _tc_layer1(x, W1l.T, W1r.T, b1.reshape(1, -1), bn)
    zp1, cp1 = _sc_agg(n_acc, d_hid, cpw, cpw, nc, ns, True)(y1, src2d, dst2d)
    y2, r2, inv = _tc_layer2(zp1, cp1, r1, W2l.T, W2r.T, b2.reshape(1, -1), bn)
    (zp2,) = _sc_agg(n_acc, d_out, k0_2, k1_2, nc, ns, False)(y2, src2d, dst2d)
    return _tc_final(zp2, inv, r2, bn)

# --- scband reference (transcript-rebuilt; emitter-appended) ---
"""Pipeline reference for scband-gnnmodel-49503793054393 (READ-ONLY COPY).

The authoritative reference and input builder live on the scoring server;
editing this copy changes nothing except your own understanding.
"""

import jax, jax.numpy as jnp
import numpy as np

N = 10000
E = 320000
D_IN = 128
D_HID = 32
D_OUT = 16


def setup_inputs(seed: int = 0):
    key = jax.random.key(seed)
    ks = jax.random.split(key, 8)
    x = jax.random.normal(ks[0], (N, D_IN), dtype=jnp.float32)
    edge_index = jax.random.randint(ks[1], (2, E), 0, N, dtype=jnp.int32)
    # SAGEConv layer 1 params: lin_l (neighbor agg, with bias), lin_r (root, no bias)
    W1l = jax.random.normal(ks[2], (D_HID, D_IN), dtype=jnp.float32) * 0.05
    b1 = jnp.zeros((D_HID,), dtype=jnp.float32)
    W1r = jax.random.normal(ks[3], (D_HID, D_IN), dtype=jnp.float32) * 0.05
    # SAGEConv layer 2 params
    W2l = jax.random.normal(ks[4], (D_OUT, D_HID), dtype=jnp.float32) * 0.05
    b2 = jnp.zeros((D_OUT,), dtype=jnp.float32)
    W2r = jax.random.normal(ks[5], (D_OUT, D_HID), dtype=jnp.float32) * 0.05
    return {"x": x, "edge_index": edge_index, "W1l": W1l, "b1": b1, "W1r": W1r,
            "W2l": W2l, "b2": b2, "W2r": W2r}


def sage_conv(x, src, dst, Wl, bl, Wr, num_nodes):
    # message: x_j gathered from source nodes
    msgs = jnp.take(x, src, axis=0)
    # mean aggregation onto destination nodes
    agg_sum = jax.ops.segment_sum(msgs, dst, num_segments=num_nodes)
    cnt = jax.ops.segment_sum(jnp.ones((src.shape[0], 1), dtype=x.dtype), dst,
                              num_segments=num_nodes)
    agg = agg_sum / jnp.clip(cnt, 1.0, None)
    # out = lin_l(agg) + lin_r(x)
    return agg @ Wl.T + bl + x @ Wr.T


def reference(x, edge_index, W1l, b1, W1r, W2l, b2, W2r):
    src = edge_index[0]
    dst = edge_index[1]
    h = jax.nn.relu(sage_conv(x, src, dst, W1l, b1, W1r, N))
    out = sage_conv(h, src, dst, W2l, b2, W2r, N)
    return out

if __name__ == "__main__":
    import jax
    _d = setup_inputs()
    print(jax.jit(kernel)(*tuple(_d.values())))

</pallas_src>

<mosaic_0001>
#map = affine_map<(d0, d1) -> (0, 0)>
#map1 = affine_map<(d0, d1) -> (0, 0, 0)>
module attributes {stable_mosaic.version = 14 : i64} {
  func.func @agg(%arg0: i32, %arg1: i32, %arg2: memref<10000x16xf32, #tpu.memory_space<hbm>>, %arg3: memref<2574x128xi32, #tpu.memory_space<hbm>>, %arg4: memref<2574x128xi32, #tpu.memory_space<hbm>>, %arg5: memref<2x10112x16xf32, #tpu.memory_space<hbm>>, %arg6: memref<94x128xi32, #tpu.memory_space<vmem>>, %arg7: memref<94x128xi32, #tpu.memory_space<vmem>>, %arg8: memref<2x128x16xf32, #tpu.memory_space<vmem>>, %arg9: memref<632x16xf32, #tpu.memory_space<vmem>>, %arg10: memref<10112x16xf32, #tpu.memory_space<vmem_shared>>, %arg11: memref<!tpu.dma_semaphore, #tpu.memory_space<semaphore_mem>>, %arg12: memref<!tpu.dma_semaphore, #tpu.memory_space<semaphore_mem>>) attributes {dimension_semantics = [#tpu.dimension_semantics<core_parallel>, #tpu.dimension_semantics<subcore_parallel>], iteration_bounds = array<i64: 2, 16>, scalar_prefetch = 0 : i64, scratch_operands = 7 : i64, tpu.core_type = #tpu.core_type<sc_vector_subcore>, window_params = [{transform_indices = #map}, {transform_indices = #map}, {transform_indices = #map}, {transform_indices = #map1}]} {
    %eq3A = arith.constant 0 : i32
    %eq3A_0 = arith.cmpi eq, %arg0, %eq3A : i32
    %mul3A = arith.constant 94 : i32
    %mul3A_1 = arith.muli %arg1, %mul3A : i32
    %mul3A_2 = arith.constant 66 : i32
    %mul3A_3 = arith.muli %arg1, %mul3A_2 : i32
    %add3A = arith.constant 1504 : i32
    %add3A_4 = arith.addi %add3A, %mul3A_3 : i32
    %select_n3A = arith.select %eq3A_0, %mul3A_1, %add3A_4 : i32
    %eq3A_5 = arith.constant 0 : i32
    %eq3A_6 = arith.cmpi eq, %arg0, %eq3A_5 : i32
    %jit3A = arith.constant 94 : i32
    %jit3A_7 = arith.constant 66 : i32
    %select_n3A_8 = arith.select %eq3A_6, %jit3A, %jit3A_7 : i32
    "tpu.trace_start"() <{level = 10 : i32, message = "agg_stage_idx"}> : () -> ()
    "tpu.region"() ({
      %run_scoped3A = tpu.sem_alloc : memref<!tpu.dma_semaphore, #tpu.memory_space<semaphore_mem>>
      %dma_start3A_71 = arith.constant 0 : i32
      %dma_start3A_72 = tpu.memref_slice %arg3[%select_n3A, %dma_start3A_71] : memref<2574x128xi32, #tpu.memory_space<hbm>> -> memref<94x128xi32, #tpu.memory_space<hbm>>
      %dma_start3A_73 = arith.constant 0 : i32
      %dma_start3A_74 = tpu.memref_slice %arg3[%select_n3A, %dma_start3A_73] : memref<2574x128xi32, #tpu.memory_space<hbm>> -> memref<94x128xi32, #tpu.memory_space<hbm>>
      tpu.enqueue_dma source(%dma_start3A_74 : memref<94x128xi32, #tpu.memory_space<hbm>>) target(%arg6 : memref<94x128xi32, #tpu.memory_space<vmem>>) target_semaphore(%run_scoped3A : memref<!tpu.dma_semaphore, #tpu.memory_space<semaphore_mem>>)
      %dma_wait3A = arith.constant 0 : i32
      %dma_wait3A_75 = tpu.memref_slice %arg3[%select_n3A, %dma_wait3A] : memref<2574x128xi32, #tpu.memory_space<hbm>> -> memref<94x128xi32, #tpu.memory_space<hbm>>
      %dma_wait3A_76 = arith.constant 0 : i32
      %dma_wait3A_77 = tpu.memref_slice %arg3[%select_n3A, %dma_wait3A_76] : memref<2574x128xi32, #tpu.memory_space<hbm>> -> memref<94x128xi32, #tpu.memory_space<hbm>>
      tpu.wait_dma2 semaphore(%run_scoped3A : memref<!tpu.dma_semaphore, #tpu.memory_space<semaphore_mem>>) src(%dma_wait3A_77 : memref<94x128xi32, #tpu.memory_space<hbm>>) dst(%arg6 : memref<94x128xi32, #tpu.memory_space<vmem>>)
      tpu.yield
    }) : () -> ()
    "tpu.region"() ({
      %run_scoped3A = tpu.sem_alloc : memref<!tpu.dma_semaphore, #tpu.memory_space<semaphore_mem>>
      %dma_start3A_71 = arith.constant 0 : i32
      %dma_start3A_72 = tpu.memref_slice %arg4[%select_n3A, %dma_start3A_71] : memref<2574x128xi32, #tpu.memory_space<hbm>> -> memref<94x128xi32, #tpu.memory_space<hbm>>
      %dma_start3A_73 = arith.constant 0 : i32
      %dma_start3A_74 = tpu.memref_slice %arg4[%select_n3A, %dma_start3A_73] : memref<2574x128xi32, #tpu.memory_space<hbm>> -> memref<94x128xi32, #tpu.memory_space<hbm>>
      tpu.enqueue_dma source(%dma_start3A_74 : memref<94x128xi32, #tpu.memory_space<hbm>>) target(%arg7 : memref<94x128xi32, #tpu.memory_space<vmem>>) target_semaphore(%run_scoped3A : memref<!tpu.dma_semaphore, #tpu.memory_space<semaphore_mem>>)
      %dma_wait3A = arith.constant 0 : i32
      %dma_wait3A_75 = tpu.memref_slice %arg4[%select_n3A, %dma_wait3A] : memref<2574x128xi32, #tpu.memory_space<hbm>> -> memref<94x128xi32, #tpu.memory_space<hbm>>
      %dma_wait3A_76 = arith.constant 0 : i32
      %dma_wait3A_77 = tpu.memref_slice %arg4[%select_n3A, %dma_wait3A_76] : memref<2574x128xi32, #tpu.memory_space<hbm>> -> memref<94x128xi32, #tpu.memory_space<hbm>>
      tpu.wait_dma2 semaphore(%run_scoped3A : memref<!tpu.dma_semaphore, #tpu.memory_space<semaphore_mem>>) src(%dma_wait3A_77 : memref<94x128xi32, #tpu.memory_space<hbm>>) dst(%arg7 : memref<94x128xi32, #tpu.memory_space<vmem>>)
      tpu.yield
    }) : () -> ()
    %dma_start3A = arith.constant 0 : i32
    %dma_start3A_9 = arith.constant 0 : i32
    %dma_start3A_10 = arith.constant 0 : i32
    %dma_start3A_11 = arith.constant 0 : i32
    %dma_start3A_12 = tpu.memref_slice %arg8[%dma_start3A_9, %dma_start3A_10, %dma_start3A_11] : memref<2x128x16xf32, #tpu.memory_space<vmem>> -> memref<1x128x16xf32, #tpu.memory_space<vmem>>
    %dma_start3A_13 = tpu.memref_squeeze %dma_start3A_12 : memref<1x128x16xf32, #tpu.memory_space<vmem>> -> memref<128x16xf32, #tpu.memory_space<vmem>>
    %dma_start3A_14 = arith.constant 0 : i32
    %dma_start3A_15 = tpu.memref_slice %arg6[%dma_start3A, %dma_start3A_14] : memref<94x128xi32, #tpu.memory_space<vmem>> -> memref<1x128xi32, #tpu.memory_space<vmem>>
    %dma_start3A_16 = tpu.memref_squeeze %dma_start3A_15 : memref<1x128xi32, #tpu.memory_space<vmem>> -> memref<128xi32, #tpu.memory_space<vmem>>
    %dma_start3A_17 = arith.constant 0 : i32
    %dma_start3A_18 = arith.constant 0 : i32
    %dma_start3A_19 = tpu.memref_slice %arg2[%dma_start3A_17, %dma_start3A_18] : memref<10000x16xf32, #tpu.memory_space<hbm>> -> memref<10000x16xf32, #tpu.memory_space<hbm>>
    tpu.enqueue_indirect_dma source(%dma_start3A_19 : memref<10000x16xf32, #tpu.memory_space<hbm>>) target(%dma_start3A_13 : memref<128x16xf32, #tpu.memory_space<vmem>>) offsets(%dma_start3A_16 : memref<128xi32, #tpu.memory_space<vmem>>) semaphore(%arg11 : memref<!tpu.dma_semaphore, #tpu.memory_space<semaphore_mem>>)
    %dma_start3A_20 = arith.constant 1 : i32
    %dma_start3A_21 = arith.constant 1 : i32
    %dma_start3A_22 = arith.constant 0 : i32
    %dma_start3A_23 = arith.constant 0 : i32
    %dma_start3A_24 = tpu.memref_slice %arg8[%dma_start3A_21, %dma_start3A_22, %dma_start3A_23] : memref<2x128x16xf32, #tpu.memory_space<vmem>> -> memref<1x128x16xf32, #tpu.memory_space<vmem>>
    %dma_start3A_25 = tpu.memref_squeeze %dma_start3A_24 : memref<1x128x16xf32, #tpu.memory_space<vmem>> -> memref<128x16xf32, #tpu.memory_space<vmem>>
    %dma_start3A_26 = arith.constant 0 : i32
    %dma_start3A_27 = tpu.memref_slice %arg6[%dma_start3A_20, %dma_start3A_26] : memref<94x128xi32, #tpu.memory_space<vmem>> -> memref<1x128xi32, #tpu.memory_space<vmem>>
    %dma_start3A_28 = tpu.memref_squeeze %dma_start3A_27 : memref<1x128xi32, #tpu.memory_space<vmem>> -> memref<128xi32, #tpu.memory_space<vmem>>
    %dma_start3A_29 = arith.constant 0 : i32
    %dma_start3A_30 = arith.constant 0 : i32
    %dma_start3A_31 = tpu.memref_slice %arg2[%dma_start3A_29, %dma_start3A_30] : memref<10000x16xf32, #tpu.memory_space<hbm>> -> memref<10000x16xf32, #tpu.memory_space<hbm>>
    tpu.enqueue_indirect_dma source(%dma_start3A_31 : memref<10000x16xf32, #tpu.memory_space<hbm>>) target(%dma_start3A_25 : memref<128x16xf32, #tpu.memory_space<vmem>>) offsets(%dma_start3A_28 : memref<128xi32, #tpu.memory_space<vmem>>) semaphore(%arg12 : memref<!tpu.dma_semaphore, #tpu.memory_space<semaphore_mem>>)
    "tpu.trace_stop"() : () -> ()
    "tpu.trace_start"() <{level = 10 : i32, message = "agg_zero"}> : () -> ()
    %scan3A = arith.constant 0 : i32
    %scan3A_32 = arith.constant 0 : i32
    %scan3A_33 = arith.constant 632 : i32
    %scan3A_34 = arith.addi %scan3A_32, %scan3A_33 : i32
    %scan3A_35 = arith.constant 1 : i32
    scf.for %scan3A_71 = %scan3A_32 to %scan3A_34 step %scan3A_35  : i32 {
      %broadcast_in_dim3A = arith.constant 0.000000e+00 : f32
      %broadcast_in_dim3A_72 = vector.broadcast %broadcast_in_dim3A : f32 to vector<16xf32>
      %swap3A = arith.index_cast %scan3A_71 : i32 to index
      %swap3A_73 = arith.constant 0 : index
      %swap3A_74 = tpu.vector_load %arg9[%swap3A, %swap3A_73] {strides = array<i32>} : memref<632x16xf32, #tpu.memory_space<vmem>>, vector<1x16xf32>,
      %swap3A_75 = vector.shape_cast %swap3A_74 : vector<1x16xf32> to vector<16xf32>
      %swap3A_76 = vector.shape_cast %broadcast_in_dim3A_72 : vector<16xf32> to vector<1x16xf32>
      tpu.vector_store %arg9[%swap3A, %swap3A_73], %swap3A_76 {strides = array<i32>} : memref<632x16xf32, #tpu.memory_space<vmem>>, vector<1x16xf32>,
    }
    %scan3A_36 = arith.constant 632 : i32
    %mul3A_37 = arith.constant 632 : i32
    %mul3A_38 = arith.muli %arg1, %mul3A_37 : i32
    "tpu.region"() ({
      %run_scoped3A = tpu.sem_alloc : memref<!tpu.dma_semaphore, #tpu.memory_space<semaphore_mem>>
      %dma_start3A_71 = arith.constant 0 : i32
      %dma_start3A_72 = tpu.memref_slice %arg10[%mul3A_38, %dma_start3A_71] : memref<10112x16xf32, #tpu.memory_space<vmem_shared>> -> memref<632x16xf32, #tpu.memory_space<vmem_shared>>
      %dma_start3A_73 = arith.constant 0 : i32
      %dma_start3A_74 = tpu.memref_slice %arg10[%mul3A_38, %dma_start3A_73] : memref<10112x16xf32, #tpu.memory_space<vmem_shared>> -> memref<632x16xf32, #tpu.memory_space<vmem_shared>>
      tpu.enqueue_dma source(%arg9 : memref<632x16xf32, #tpu.memory_space<vmem>>) target(%dma_start3A_74 : memref<632x16xf32, #tpu.memory_space<vmem_shared>>) target_semaphore(%run_scoped3A : memref<!tpu.dma_semaphore, #tpu.memory_space<semaphore_mem>>)
      %dma_wait3A = arith.constant 0 : i32
      %dma_wait3A_75 = tpu.memref_slice %arg10[%mul3A_38, %dma_wait3A] : memref<10112x16xf32, #tpu.memory_space<vmem_shared>> -> memref<632x16xf32, #tpu.memory_space<vmem_shared>>
      %dma_wait3A_76 = arith.constant 0 : i32
      %dma_wait3A_77 = tpu.memref_slice %arg10[%mul3A_38, %dma_wait3A_76] : memref<10112x16xf32, #tpu.memory_space<vmem_shared>> -> memref<632x16xf32, #tpu.memory_space<vmem_shared>>
      tpu.wait_dma2 semaphore(%run_scoped3A : memref<!tpu.dma_semaphore, #tpu.memory_space<semaphore_mem>>) src(%arg9 : memref<632x16xf32, #tpu.memory_space<vmem>>) dst(%dma_wait3A_77 : memref<632x16xf32, #tpu.memory_space<vmem_shared>>)
      tpu.yield
    }) : () -> ()
    %barrier3A = arith.constant 0 : index
    tpu.barrier barrier_id(%barrier3A)
    %jit3A_39 = arith.constant 2 : i32
    "tpu.trace_stop"() : () -> ()
    "tpu.trace_start"() <{level = 10 : i32, message = "agg_main"}> : () -> ()
    %div3A = arith.divsi %select_n3A_8, %jit3A_39 : i32
    %sign3A = arith.constant 0 : i32
    %sign3A_40 = arith.cmpi sgt, %select_n3A_8, %sign3A : i32
    %sign3A_41 = arith.extui %sign3A_40 : i1 to i32
    %sign3A_42 = arith.constant 0 : i32
    %sign3A_43 = arith.cmpi slt, %select_n3A_8, %sign3A_42 : i32
    %sign3A_44 = arith.extui %sign3A_43 : i1 to i32
    %sign3A_45 = arith.subi %sign3A_41, %sign3A_44 : i32
    %sign3A_46 = arith.constant 0 : i32
    %sign3A_47 = arith.cmpi sgt, %jit3A_39, %sign3A_46 : i32
    %sign3A_48 = arith.extui %sign3A_47 : i1 to i32
    %sign3A_49 = arith.constant 0 : i32
    %sign3A_50 = arith.cmpi slt, %jit3A_39, %sign3A_49 : i32
    %sign3A_51 = arith.extui %sign3A_50 : i1 to i32
    %sign3A_52 = arith.subi %sign3A_48, %sign3A_51 : i32
    %ne3A = arith.cmpi ne, %sign3A_45, %sign3A_52 : i32
    %rem3A = arith.remsi %select_n3A_8, %jit3A_39 : i32
    %ne3A_53 = arith.constant 0 : i32
    %ne3A_54 = arith.cmpi ne, %rem3A, %ne3A_53 : i32
    %and3A = arith.andi %ne3A, %ne3A_54 : i1
    %sub3A = arith.constant 1 : i32
    %sub3A_55 = arith.subi %div3A, %sub3A : i32
    %select_n3A_56 = arith.select %and3A, %sub3A_55, %div3A : i32
    %while3A = arith.constant 0 : i32
    %while3A_57 = arith.constant 0 : i32
    %while3A_58 = arith.subi %select_n3A_56, %while3A_57 : i32
    %while3A_59 = arith.addi %while3A_57, %while3A_58 : i32
    %while3A_60 = arith.constant 1 : i32
    %while3A_61 = arith.divsi %while3A_58, %while3A_60 : i32
    %while3A_62 = arith.muli %while3A_61, %while3A_60 : i32
    %while3A_63 = arith.addi %while3A_57, %while3A_62 : i32
    %while3A_64 = arith.constant 1 : i32
    scf.for %while3A_71 = %while3A_57 to %while3A_63 step %while3A_64  : i32 {
      %mul3A_72 = arith.constant 2 : i32
      %mul3A_73 = arith.muli %mul3A_72, %while3A_71 : i32
      %add3A_74 = arith.constant 0 : i32
      %add3A_75 = arith.addi %mul3A_73, %add3A_74 : i32
      %dma_wait3A = arith.constant 0 : i32
      %dma_wait3A_76 = arith.constant 0 : i32
      %dma_wait3A_77 = arith.constant 0 : i32
      %dma_wait3A_78 = tpu.memref_slice %arg8[%dma_wait3A, %dma_wait3A_76, %dma_wait3A_77] : memref<2x128x16xf32, #tpu.memory_space<vmem>> -> memref<1x128x16xf32, #tpu.memory_space<vmem>>
      %dma_wait3A_79 = tpu.memref_squeeze %dma_wait3A_78 : memref<1x128x16xf32, #tpu.memory_space<vmem>> -> memref<128x16xf32, #tpu.memory_space<vmem>>
      %dma_wait3A_80 = arith.constant 0 : i32
      %dma_wait3A_81 = tpu.memref_slice %arg6[%add3A_75, %dma_wait3A_80] : memref<94x128xi32, #tpu.memory_space<vmem>> -> memref<1x128xi32, #tpu.memory_space<vmem>>
      %dma_wait3A_82 = tpu.memref_squeeze %dma_wait3A_81 : memref<1x128xi32, #tpu.memory_space<vmem>> -> memref<128xi32, #tpu.memory_space<vmem>>
      %dma_wait3A_83 = arith.constant 0 : i32
      %dma_wait3A_84 = arith.constant 0 : i32
      %dma_wait3A_85 = tpu.memref_slice %arg2[%dma_wait3A_83, %dma_wait3A_84] : memref<10000x16xf32, #tpu.memory_space<hbm>> -> memref<10000x16xf32, #tpu.memory_space<hbm>>
      tpu.wait_indirect_dma semaphore(%arg11 : memref<!tpu.dma_semaphore, #tpu.memory_space<semaphore_mem>>) src(%dma_wait3A_85 : memref<10000x16xf32, #tpu.memory_space<hbm>>) dst(%dma_wait3A_79 : memref<128x16xf32, #tpu.memory_space<vmem>>)
      %run_scoped3A = arith.constant 0 : i32
      "tpu.region"() ({
        %run_scoped3A_111 = tpu.sem_alloc : memref<!tpu.dma_semaphore, #tpu.memory_space<semaphore_mem>>
        %dma_start3A_112 = arith.constant 0 : i32
        %dma_start3A_113 = arith.constant 0 : i32
        %dma_start3A_114 = tpu.memref_slice %arg8[%run_scoped3A, %dma_start3A_112, %dma_start3A_113] : memref<2x128x16xf32, #tpu.memory_space<vmem>> -> memref<1x128x16xf32, #tpu.memory_space<vmem>>
        %dma_start3A_115 = tpu.memref_squeeze %dma_start3A_114 : memref<1x128x16xf32, #tpu.memory_space<vmem>> -> memref<128x16xf32, #tpu.memory_space<vmem>>
        %dma_start3A_116 = arith.constant 0 : i32
        %dma_start3A_117 = tpu.memref_slice %arg7[%add3A_75, %dma_start3A_116] : memref<94x128xi32, #tpu.memory_space<vmem>> -> memref<1x128xi32, #tpu.memory_space<vmem>>
        %dma_start3A_118 = tpu.memref_squeeze %dma_start3A_117 : memref<1x128xi32, #tpu.memory_space<vmem>> -> memref<128xi32, #tpu.memory_space<vmem>>
        %dma_start3A_119 = arith.constant 0 : i32
        %dma_start3A_120 = arith.constant 0 : i32
        %dma_start3A_121 = tpu.memref_slice %arg10[%dma_start3A_119, %dma_start3A_120] : memref<10112x16xf32, #tpu.memory_space<vmem_shared>> -> memref<10112x16xf32, #tpu.memory_space<vmem_shared>>
        tpu.enqueue_indirect_dma source(%dma_start3A_115 : memref<128x16xf32, #tpu.memory_space<vmem>>) target(%dma_start3A_121 : memref<10112x16xf32, #tpu.memory_space<vmem_shared>>) offsets(%dma_start3A_118 : memref<128xi32, #tpu.memory_space<vmem>>) semaphore(%run_scoped3A_111 : memref<!tpu.dma_semaphore, #tpu.memory_space<semaphore_mem>>) {add = true}
        %dma_wait3A_122 = arith.constant 0 : i32
        %dma_wait3A_123 = arith.constant 0 : i32
        %dma_wait3A_124 = tpu.memref_slice %arg8[%run_scoped3A, %dma_wait3A_122, %dma_wait3A_123] : memref<2x128x16xf32, #tpu.memory_space<vmem>> -> memref<1x128x16xf32, #tpu.memory_space<vmem>>
        %dma_wait3A_125 = tpu.memref_squeeze %dma_wait3A_124 : memref<1x128x16xf32, #tpu.memory_space<vmem>> -> memref<128x16xf32, #tpu.memory_space<vmem>>
        %dma_wait3A_126 = arith.constant 0 : i32
        %dma_wait3A_127 = tpu.memref_slice %arg7[%add3A_75, %dma_wait3A_126] : memref<94x128xi32, #tpu.memory_space<vmem>> -> memref<1x128xi32, #tpu.memory_space<vmem>>
        %dma_wait3A_128 = tpu.memref_squeeze %dma_wait3A_127 : memref<1x128xi32, #tpu.memory_space<vmem>> -> memref<128xi32, #tpu.memory_space<vmem>>
        %dma_wait3A_129 = arith.constant 0 : i32
        %dma_wait3A_130 = arith.constant 0 : i32
        %dma_wait3A_131 = tpu.memref_slice %arg10[%dma_wait3A_129, %dma_wait3A_130] : memref<10112x16xf32, #tpu.memory_space<vmem_shared>> -> memref<10112x16xf32, #tpu.memory_space<vmem_shared>>
        tpu.wait_indirect_dma semaphore(%run_scoped3A_111 : memref<!tpu.dma_semaphore, #tpu.memory_space<semaphore_mem>>) src(%dma_wait3A_125 : memref<128x16xf32, #tpu.memory_space<vmem>>) dst(%dma_wait3A_131 : memref<10112x16xf32, #tpu.memory_space<vmem_shared>>)
        tpu.yield
      }) : () -> ()
      %add3A_86 = arith.constant 2 : i32
      %add3A_87 = arith.addi %add3A_75, %add3A_86 : i32
      %lt3A = arith.cmpi slt, %add3A_87, %select_n3A_8 : i32
      %convert_element_type3A = arith.extui %lt3A : i1 to i32
      %cond3A = arith.constant 0 : i32
      %cond3A_88 = arith.cmpi ne, %convert_element_type3A, %cond3A : i32
      scf.if %cond3A_88 {
        %add3A_111 = arith.constant 2 : i32
        %add3A_112 = arith.addi %add3A_75, %add3A_111 : i32
        %dma_start3A_113 = arith.constant 0 : i32
        %dma_start3A_114 = arith.constant 0 : i32
        %dma_start3A_115 = arith.constant 0 : i32
        %dma_start3A_116 = tpu.memref_slice %arg8[%dma_start3A_113, %dma_start3A_114, %dma_start3A_115] : memref<2x128x16xf32, #tpu.memory_space<vmem>> -> memref<1x128x16xf32, #tpu.memory_space<vmem>>
        %dma_start3A_117 = tpu.memref_squeeze %dma_start3A_116 : memref<1x128x16xf32, #tpu.memory_space<vmem>> -> memref<128x16xf32, #tpu.memory_space<vmem>>
        %dma_start3A_118 = arith.constant 0 : i32
        %dma_start3A_119 = tpu.memref_slice %arg6[%add3A_112, %dma_start3A_118] : memref<94x128xi32, #tpu.memory_space<vmem>> -> memref<1x128xi32, #tpu.memory_space<vmem>>
        %dma_start3A_120 = tpu.memref_squeeze %dma_start3A_119 : memref<1x128xi32, #tpu.memory_space<vmem>> -> memref<128xi32, #tpu.memory_space<vmem>>
        %dma_start3A_121 = arith.constant 0 : i32
        %dma_start3A_122 = arith.constant 0 : i32
        %dma_start3A_123 = tpu.memref_slice %arg2[%dma_start3A_121, %dma_start3A_122] : memref<10000x16xf32, #tpu.memory_space<hbm>> -> memref<10000x16xf32, #tpu.memory_space<hbm>>
        tpu.enqueue_indirect_dma source(%dma_start3A_123 : memref<10000x16xf32, #tpu.memory_space<hbm>>) target(%dma_start3A_117 : memref<128x16xf32, #tpu.memory_space<vmem>>) offsets(%dma_start3A_120 : memref<128xi32, #tpu.memory_space<vmem>>) semaphore(%arg11 : memref<!tpu.dma_semaphore, #tpu.memory_space<semaphore_mem>>)
      } else {
      }
      %mul3A_89 = arith.constant 2 : i32
      %mul3A_90 = arith.muli %mul3A_89, %while3A_71 : i32
      %add3A_91 = arith.constant 1 : i32
      %add3A_92 = arith.addi %mul3A_90, %add3A_91 : i32
      %dma_wait3A_93 = arith.constant 1 : i32
      %dma_wait3A_94 = arith.constant 0 : i32
      %dma_wait3A_95 = arith.constant 0 : i32
      %dma_wait3A_96 = tpu.memref_slice %arg8[%dma_wait3A_93, %dma_wait3A_94, %dma_wait3A_95] : memref<2x128x16xf32, #tpu.memory_space<vmem>> -> memref<1x128x16xf32, #tpu.memory_space<vmem>>
      %dma_wait3A_97 = tpu.memref_squeeze %dma_wait3A_96 : memref<1x128x16xf32, #tpu.memory_space<vmem>> -> memref<128x16xf32, #tpu.memory_space<vmem>>
      %dma_wait3A_98 = arith.constant 0 : i32
      %dma_wait3A_99 = tpu.memref_slice %arg6[%add3A_92, %dma_wait3A_98] : memref<94x128xi32, #tpu.memory_space<vmem>> -> memref<1x128xi32, #tpu.memory_space<vmem>>
      %dma_wait3A_100 = tpu.memref_squeeze %dma_wait3A_99 : memref<1x128xi32, #tpu.memory_space<vmem>> -> memref<128xi32, #tpu.memory_space<vmem>>
      %dma_wait3A_101 = arith.constant 0 : i32
      %dma_wait3A_102 = arith.constant 0 : i32
      %dma_wait3A_103 = tpu.memref_slice %arg2[%dma_wait3A_101, %dma_wait3A_102] : memref<10000x16xf32, #tpu.memory_space<hbm>> -> memref<10000x16xf32, #tpu.memory_space<hbm>>
      tpu.wait_indirect_dma semaphore(%arg12 : memref<!tpu.dma_semaphore, #tpu.memory_space<semaphore_mem>>) src(%dma_wait3A_103 : memref<10000x16xf32, #tpu.memory_space<hbm>>) dst(%dma_wait3A_97 : memref<128x16xf32, #tpu.memory_space<vmem>>)
      %run_scoped3A_104 = arith.constant 1 : i32
      "tpu.region"() ({
        %run_scoped3A_111 = tpu.sem_alloc : memref<!tpu.dma_semaphore, #tpu.memory_space<semaphore_mem>>
        %dma_start3A_112 = arith.constant 0 : i32
        %dma_start3A_113 = arith.constant 0 : i32
        %dma_start3A_114 = tpu.memref_slice %arg8[%run_scoped3A_104, %dma_start3A_112, %dma_start3A_113] : memref<2x128x16xf32, #tpu.memory_space<vmem>> -> memref<1x128x16xf32, #tpu.memory_space<vmem>>
        %dma_start3A_115 = tpu.memref_squeeze %dma_start3A_114 : memref<1x128x16xf32, #tpu.memory_space<vmem>> -> memref<128x16xf32, #tpu.memory_space<vmem>>
        %dma_start3A_116 = arith.constant 0 : i32
        %dma_start3A_117 = tpu.memref_slice %arg7[%add3A_92, %dma_start3A_116] : memref<94x128xi32, #tpu.memory_space<vmem>> -> memref<1x128xi32, #tpu.memory_space<vmem>>
        %dma_start3A_118 = tpu.memref_squeeze %dma_start3A_117 : memref<1x128xi32, #tpu.memory_space<vmem>> -> memref<128xi32, #tpu.memory_space<vmem>>
        %dma_start3A_119 = arith.constant 0 : i32
        %dma_start3A_120 = arith.constant 0 : i32
        %dma_start3A_121 = tpu.memref_slice %arg10[%dma_start3A_119, %dma_start3A_120] : memref<10112x16xf32, #tpu.memory_space<vmem_shared>> -> memref<10112x16xf32, #tpu.memory_space<vmem_shared>>
        tpu.enqueue_indirect_dma source(%dma_start3A_115 : memref<128x16xf32, #tpu.memory_space<vmem>>) target(%dma_start3A_121 : memref<10112x16xf32, #tpu.memory_space<vmem_shared>>) offsets(%dma_start3A_118 : memref<128xi32, #tpu.memory_space<vmem>>) semaphore(%run_scoped3A_111 : memref<!tpu.dma_semaphore, #tpu.memory_space<semaphore_mem>>) {add = true}
        %dma_wait3A_122 = arith.constant 0 : i32
        %dma_wait3A_123 = arith.constant 0 : i32
        %dma_wait3A_124 = tpu.memref_slice %arg8[%run_scoped3A_104, %dma_wait3A_122, %dma_wait3A_123] : memref<2x128x16xf32, #tpu.memory_space<vmem>> -> memref<1x128x16xf32, #tpu.memory_space<vmem>>
        %dma_wait3A_125 = tpu.memref_squeeze %dma_wait3A_124 : memref<1x128x16xf32, #tpu.memory_space<vmem>> -> memref<128x16xf32, #tpu.memory_space<vmem>>
        %dma_wait3A_126 = arith.constant 0 : i32
        %dma_wait3A_127 = tpu.memref_slice %arg7[%add3A_92, %dma_wait3A_126] : memref<94x128xi32, #tpu.memory_space<vmem>> -> memref<1x128xi32, #tpu.memory_space<vmem>>
        %dma_wait3A_128 = tpu.memref_squeeze %dma_wait3A_127 : memref<1x128xi32, #tpu.memory_space<vmem>> -> memref<128xi32, #tpu.memory_space<vmem>>
        %dma_wait3A_129 = arith.constant 0 : i32
        %dma_wait3A_130 = arith.constant 0 : i32
        %dma_wait3A_131 = tpu.memref_slice %arg10[%dma_wait3A_129, %dma_wait3A_130] : memref<10112x16xf32, #tpu.memory_space<vmem_shared>> -> memref<10112x16xf32, #tpu.memory_space<vmem_shared>>
        tpu.wait_indirect_dma semaphore(%run_scoped3A_111 : memref<!tpu.dma_semaphore, #tpu.memory_space<semaphore_mem>>) src(%dma_wait3A_125 : memref<128x16xf32, #tpu.memory_space<vmem>>) dst(%dma_wait3A_131 : memref<10112x16xf32, #tpu.memory_space<vmem_shared>>)
        tpu.yield
      }) : () -> ()
      %add3A_105 = arith.constant 2 : i32
      %add3A_106 = arith.addi %add3A_92, %add3A_105 : i32
      %lt3A_107 = arith.cmpi slt, %add3A_106, %select_n3A_8 : i32
      %convert_element_type3A_108 = arith.extui %lt3A_107 : i1 to i32
      %cond3A_109 = arith.constant 0 : i32
      %cond3A_110 = arith.cmpi ne, %convert_element_type3A_108, %cond3A_109 : i32
      scf.if %cond3A_110 {
        %add3A_111 = arith.constant 2 : i32
        %add3A_112 = arith.addi %add3A_92, %add3A_111 : i32
        %dma_start3A_113 = arith.constant 1 : i32
        %dma_start3A_114 = arith.constant 0 : i32
        %dma_start3A_115 = arith.constant 0 : i32
        %dma_start3A_116 = tpu.memref_slice %arg8[%dma_start3A_113, %dma_start3A_114, %dma_start3A_115] : memref<2x128x16xf32, #tpu.memory_space<vmem>> -> memref<1x128x16xf32, #tpu.memory_space<vmem>>
        %dma_start3A_117 = tpu.memref_squeeze %dma_start3A_116 : memref<1x128x16xf32, #tpu.memory_space<vmem>> -> memref<128x16xf32, #tpu.memory_space<vmem>>
        %dma_start3A_118 = arith.constant 0 : i32
        %dma_start3A_119 = tpu.memref_slice %arg6[%add3A_112, %dma_start3A_118] : memref<94x128xi32, #tpu.memory_space<vmem>> -> memref<1x128xi32, #tpu.memory_space<vmem>>
        %dma_start3A_120 = tpu.memref_squeeze %dma_start3A_119 : memref<1x128xi32, #tpu.memory_space<vmem>> -> memref<128xi32, #tpu.memory_space<vmem>>
        %dma_start3A_121 = arith.constant 0 : i32
        %dma_start3A_122 = arith.constant 0 : i32
        %dma_start3A_123 = tpu.memref_slice %arg2[%dma_start3A_121, %dma_start3A_122] : memref<10000x16xf32, #tpu.memory_space<hbm>> -> memref<10000x16xf32, #tpu.memory_space<hbm>>
        tpu.enqueue_indirect_dma source(%dma_start3A_123 : memref<10000x16xf32, #tpu.memory_space<hbm>>) target(%dma_start3A_117 : memref<128x16xf32, #tpu.memory_space<vmem>>) offsets(%dma_start3A_120 : memref<128xi32, #tpu.memory_space<vmem>>) semaphore(%arg12 : memref<!tpu.dma_semaphore, #tpu.memory_space<semaphore_mem>>)
      } else {
      }
    }
    %while3A_65 = arith.constant 1 : i32
    scf.for %while3A_71 = %while3A_63 to %while3A_59 step %while3A_65  : i32 {
      %mul3A_72 = arith.constant 2 : i32
      %mul3A_73 = arith.muli %mul3A_72, %while3A_71 : i32
      %add3A_74 = arith.constant 0 : i32
      %add3A_75 = arith.addi %mul3A_73, %add3A_74 : i32
      %dma_wait3A = arith.constant 0 : i32
      %dma_wait3A_76 = arith.constant 0 : i32
      %dma_wait3A_77 = arith.constant 0 : i32
      %dma_wait3A_78 = tpu.memref_slice %arg8[%dma_wait3A, %dma_wait3A_76, %dma_wait3A_77] : memref<2x128x16xf32, #tpu.memory_space<vmem>> -> memref<1x128x16xf32, #tpu.memory_space<vmem>>
      %dma_wait3A_79 = tpu.memref_squeeze %dma_wait3A_78 : memref<1x128x16xf32, #tpu.memory_space<vmem>> -> memref<128x16xf32, #tpu.memory_space<vmem>>
      %dma_wait3A_80 = arith.constant 0 : i32
      %dma_wait3A_81 = tpu.memref_slice %arg6[%add3A_75, %dma_wait3A_80] : memref<94x128xi32, #tpu.memory_space<vmem>> -> memref<1x128xi32, #tpu.memory_space<vmem>>
      %dma_wait3A_82 = tpu.memref_squeeze %dma_wait3A_81 : memref<1x128xi32, #tpu.memory_space<vmem>> -> memref<128xi32, #tpu.memory_space<vmem>>
      %dma_wait3A_83 = arith.constant 0 : i32
      %dma_wait3A_84 = arith.constant 0 : i32
      %dma_wait3A_85 = tpu.memref_slice %arg2[%dma_wait3A_83, %dma_wait3A_84] : memref<10000x16xf32, #tpu.memory_space<hbm>> -> memref<10000x16xf32, #tpu.memory_space<hbm>>
      tpu.wait_indirect_dma semaphore(%arg11 : memref<!tpu.dma_semaphore, #tpu.memory_space<semaphore_mem>>) src(%dma_wait3A_85 : memref<10000x16xf32, #tpu.memory_space<hbm>>) dst(%dma_wait3A_79 : memref<128x16xf32, #tpu.memory_space<vmem>>)
      %run_scoped3A = arith.constant 0 : i32
      "tpu.region"() ({
        %run_scoped3A_111 = tpu.sem_alloc : memref<!tpu.dma_semaphore, #tpu.memory_space<semaphore_mem>>
        %dma_start3A_112 = arith.constant 0 : i32
        %dma_start3A_113 = arith.constant 0 : i32
        %dma_start3A_114 = tpu.memref_slice %arg8[%run_scoped3A, %dma_start3A_112, %dma_start3A_113] : memref<2x128x16xf32, #tpu.memory_space<vmem>> -> memref<1x128x16xf32, #tpu.memory_space<vmem>>
        %dma_start3A_115 = tpu.memref_squeeze %dma_start3A_114 : memref<1x128x16xf32, #tpu.memory_space<vmem>> -> memref<128x16xf32, #tpu.memory_space<vmem>>
        %dma_start3A_116 = arith.constant 0 : i32
        %dma_start3A_117 = tpu.memref_slice %arg7[%add3A_75, %dma_start3A_116] : memref<94x128xi32, #tpu.memory_space<vmem>> -> memref<1x128xi32, #tpu.memory_space<vmem>>
        %dma_start3A_118 = tpu.memref_squeeze %dma_start3A_117 : memref<1x128xi32, #tpu.memory_space<vmem>> -> memref<128xi32, #tpu.memory_space<vmem>>
        %dma_start3A_119 = arith.constant 0 : i32
        %dma_start3A_120 = arith.constant 0 : i32
        %dma_start3A_121 = tpu.memref_slice %arg10[%dma_start3A_119, %dma_start3A_120] : memref<10112x16xf32, #tpu.memory_space<vmem_shared>> -> memref<10112x16xf32, #tpu.memory_space<vmem_shared>>
        tpu.enqueue_indirect_dma source(%dma_start3A_115 : memref<128x16xf32, #tpu.memory_space<vmem>>) target(%dma_start3A_121 : memref<10112x16xf32, #tpu.memory_space<vmem_shared>>) offsets(%dma_start3A_118 : memref<128xi32, #tpu.memory_space<vmem>>) semaphore(%run_scoped3A_111 : memref<!tpu.dma_semaphore, #tpu.memory_space<semaphore_mem>>) {add = true}
        %dma_wait3A_122 = arith.constant 0 : i32
        %dma_wait3A_123 = arith.constant 0 : i32
        %dma_wait3A_124 = tpu.memref_slice %arg8[%run_scoped3A, %dma_wait3A_122, %dma_wait3A_123] : memref<2x128x16xf32, #tpu.memory_space<vmem>> -> memref<1x128x16xf32, #tpu.memory_space<vmem>>
        %dma_wait3A_125 = tpu.memref_squeeze %dma_wait3A_124 : memref<1x128x16xf32, #tpu.memory_space<vmem>> -> memref<128x16xf32, #tpu.memory_space<vmem>>
        %dma_wait3A_126 = arith.constant 0 : i32
        %dma_wait3A_127 = tpu.memref_slice %arg7[%add3A_75, %dma_wait3A_126] : memref<94x128xi32, #tpu.memory_space<vmem>> -> memref<1x128xi32, #tpu.memory_space<vmem>>
        %dma_wait3A_128 = tpu.memref_squeeze %dma_wait3A_127 : memref<1x128xi32, #tpu.memory_space<vmem>> -> memref<128xi32, #tpu.memory_space<vmem>>
        %dma_wait3A_129 = arith.constant 0 : i32
        %dma_wait3A_130 = arith.constant 0 : i32
        %dma_wait3A_131 = tpu.memref_slice %arg10[%dma_wait3A_129, %dma_wait3A_130] : memref<10112x16xf32, #tpu.memory_space<vmem_shared>> -> memref<10112x16xf32, #tpu.memory_space<vmem_shared>>
        tpu.wait_indirect_dma semaphore(%run_scoped3A_111 : memref<!tpu.dma_semaphore, #tpu.memory_space<semaphore_mem>>) src(%dma_wait3A_125 : memref<128x16xf32, #tpu.memory_space<vmem>>) dst(%dma_wait3A_131 : memref<10112x16xf32, #tpu.memory_space<vmem_shared>>)
        tpu.yield
      }) : () -> ()
      %add3A_86 = arith.constant 2 : i32
      %add3A_87 = arith.addi %add3A_75, %add3A_86 : i32
      %lt3A = arith.cmpi slt, %add3A_87, %select_n3A_8 : i32
      %convert_element_type3A = arith.extui %lt3A : i1 to i32
      %cond3A = arith.constant 0 : i32
      %cond3A_88 = arith.cmpi ne, %convert_element_type3A, %cond3A : i32
      scf.if %cond3A_88 {
        %add3A_111 = arith.constant 2 : i32
        %add3A_112 = arith.addi %add3A_75, %add3A_111 : i32
        %dma_start3A_113 = arith.constant 0 : i32
        %dma_start3A_114 = arith.constant 0 : i32
        %dma_start3A_115 = arith.constant 0 : i32
        %dma_start3A_116 = tpu.memref_slice %arg8[%dma_start3A_113, %dma_start3A_114, %dma_start3A_115] : memref<2x128x16xf32, #tpu.memory_space<vmem>> -> memref<1x128x16xf32, #tpu.memory_space<vmem>>
        %dma_start3A_117 = tpu.memref_squeeze %dma_start3A_116 : memref<1x128x16xf32, #tpu.memory_space<vmem>> -> memref<128x16xf32, #tpu.memory_space<vmem>>
        %dma_start3A_118 = arith.constant 0 : i32
        %dma_start3A_119 = tpu.memref_slice %arg6[%add3A_112, %dma_start3A_118] : memref<94x128xi32, #tpu.memory_space<vmem>> -> memref<1x128xi32, #tpu.memory_space<vmem>>
        %dma_start3A_120 = tpu.memref_squeeze %dma_start3A_119 : memref<1x128xi32, #tpu.memory_space<vmem>> -> memref<128xi32, #tpu.memory_space<vmem>>
        %dma_start3A_121 = arith.constant 0 : i32
        %dma_start3A_122 = arith.constant 0 : i32
        %dma_start3A_123 = tpu.memref_slice %arg2[%dma_start3A_121, %dma_start3A_122] : memref<10000x16xf32, #tpu.memory_space<hbm>> -> memref<10000x16xf32, #tpu.memory_space<hbm>>
        tpu.enqueue_indirect_dma source(%dma_start3A_123 : memref<10000x16xf32, #tpu.memory_space<hbm>>) target(%dma_start3A_117 : memref<128x16xf32, #tpu.memory_space<vmem>>) offsets(%dma_start3A_120 : memref<128xi32, #tpu.memory_space<vmem>>) semaphore(%arg11 : memref<!tpu.dma_semaphore, #tpu.memory_space<semaphore_mem>>)
      } else {
      }
      %mul3A_89 = arith.constant 2 : i32
      %mul3A_90 = arith.muli %mul3A_89, %while3A_71 : i32
      %add3A_91 = arith.constant 1 : i32
      %add3A_92 = arith.addi %mul3A_90, %add3A_91 : i32
      %dma_wait3A_93 = arith.constant 1 : i32
      %dma_wait3A_94 = arith.constant 0 : i32
      %dma_wait3A_95 = arith.constant 0 : i32
      %dma_wait3A_96 = tpu.memref_slice %arg8[%dma_wait3A_93, %dma_wait3A_94, %dma_wait3A_95] : memref<2x128x16xf32, #tpu.memory_space<vmem>> -> memref<1x128x16xf32, #tpu.memory_space<vmem>>
      %dma_wait3A_97 = tpu.memref_squeeze %dma_wait3A_96 : memref<1x128x16xf32, #tpu.memory_space<vmem>> -> memref<128x16xf32, #tpu.memory_space<vmem>>
      %dma_wait3A_98 = arith.constant 0 : i32
      %dma_wait3A_99 = tpu.memref_slice %arg6[%add3A_92, %dma_wait3A_98] : memref<94x128xi32, #tpu.memory_space<vmem>> -> memref<1x128xi32, #tpu.memory_space<vmem>>
      %dma_wait3A_100 = tpu.memref_squeeze %dma_wait3A_99 : memref<1x128xi32, #tpu.memory_space<vmem>> -> memref<128xi32, #tpu.memory_space<vmem>>
      %dma_wait3A_101 = arith.constant 0 : i32
      %dma_wait3A_102 = arith.constant 0 : i32
      %dma_wait3A_103 = tpu.memref_slice %arg2[%dma_wait3A_101, %dma_wait3A_102] : memref<10000x16xf32, #tpu.memory_space<hbm>> -> memref<10000x16xf32, #tpu.memory_space<hbm>>
      tpu.wait_indirect_dma semaphore(%arg12 : memref<!tpu.dma_semaphore, #tpu.memory_space<semaphore_mem>>) src(%dma_wait3A_103 : memref<10000x16xf32, #tpu.memory_space<hbm>>) dst(%dma_wait3A_97 : memref<128x16xf32, #tpu.memory_space<vmem>>)
      %run_scoped3A_104 = arith.constant 1 : i32
      "tpu.region"() ({
        %run_scoped3A_111 = tpu.sem_alloc : memref<!tpu.dma_semaphore, #tpu.memory_space<semaphore_mem>>
        %dma_start3A_112 = arith.constant 0 : i32
        %dma_start3A_113 = arith.constant 0 : i32
        %dma_start3A_114 = tpu.memref_slice %arg8[%run_scoped3A_104, %dma_start3A_112, %dma_start3A_113] : memref<2x128x16xf32, #tpu.memory_space<vmem>> -> memref<1x128x16xf32, #tpu.memory_space<vmem>>
        %dma_start3A_115 = tpu.memref_squeeze %dma_start3A_114 : memref<1x128x16xf32, #tpu.memory_space<vmem>> -> memref<128x16xf32, #tpu.memory_space<vmem>>
        %dma_start3A_116 = arith.constant 0 : i32
        %dma_start3A_117 = tpu.memref_slice %arg7[%add3A_92, %dma_start3A_116] : memref<94x128xi32, #tpu.memory_space<vmem>> -> memref<1x128xi32, #tpu.memory_space<vmem>>
        %dma_start3A_118 = tpu.memref_squeeze %dma_start3A_117 : memref<1x128xi32, #tpu.memory_space<vmem>> -> memref<128xi32, #tpu.memory_space<vmem>>
        %dma_start3A_119 = arith.constant 0 : i32
        %dma_start3A_120 = arith.constant 0 : i32
        %dma_start3A_121 = tpu.memref_slice %arg10[%dma_start3A_119, %dma_start3A_120] : memref<10112x16xf32, #tpu.memory_space<vmem_shared>> -> memref<10112x16xf32, #tpu.memory_space<vmem_shared>>
        tpu.enqueue_indirect_dma source(%dma_start3A_115 : memref<128x16xf32, #tpu.memory_space<vmem>>) target(%dma_start3A_121 : memref<10112x16xf32, #tpu.memory_space<vmem_shared>>) offsets(%dma_start3A_118 : memref<128xi32, #tpu.memory_space<vmem>>) semaphore(%run_scoped3A_111 : memref<!tpu.dma_semaphore, #tpu.memory_space<semaphore_mem>>) {add = true}
        %dma_wait3A_122 = arith.constant 0 : i32
        %dma_wait3A_123 = arith.constant 0 : i32
        %dma_wait3A_124 = tpu.memref_slice %arg8[%run_scoped3A_104, %dma_wait3A_122, %dma_wait3A_123] : memref<2x128x16xf32, #tpu.memory_space<vmem>> -> memref<1x128x16xf32, #tpu.memory_space<vmem>>
        %dma_wait3A_125 = tpu.memref_squeeze %dma_wait3A_124 : memref<1x128x16xf32, #tpu.memory_space<vmem>> -> memref<128x16xf32, #tpu.memory_space<vmem>>
        %dma_wait3A_126 = arith.constant 0 : i32
        %dma_wait3A_127 = tpu.memref_slice %arg7[%add3A_92, %dma_wait3A_126] : memref<94x128xi32, #tpu.memory_space<vmem>> -> memref<1x128xi32, #tpu.memory_space<vmem>>
        %dma_wait3A_128 = tpu.memref_squeeze %dma_wait3A_127 : memref<1x128xi32, #tpu.memory_space<vmem>> -> memref<128xi32, #tpu.memory_space<vmem>>
        %dma_wait3A_129 = arith.constant 0 : i32
        %dma_wait3A_130 = arith.constant 0 : i32
        %dma_wait3A_131 = tpu.memref_slice %arg10[%dma_wait3A_129, %dma_wait3A_130] : memref<10112x16xf32, #tpu.memory_space<vmem_shared>> -> memref<10112x16xf32, #tpu.memory_space<vmem_shared>>
        tpu.wait_indirect_dma semaphore(%run_scoped3A_111 : memref<!tpu.dma_semaphore, #tpu.memory_space<semaphore_mem>>) src(%dma_wait3A_125 : memref<128x16xf32, #tpu.memory_space<vmem>>) dst(%dma_wait3A_131 : memref<10112x16xf32, #tpu.memory_space<vmem_shared>>)
        tpu.yield
      }) : () -> ()
      %add3A_105 = arith.constant 2 : i32
      %add3A_106 = arith.addi %add3A_92, %add3A_105 : i32
      %lt3A_107 = arith.cmpi slt, %add3A_106, %select_n3A_8 : i32
      %convert_element_type3A_108 = arith.extui %lt3A_107 : i1 to i32
      %cond3A_109 = arith.constant 0 : i32
      %cond3A_110 = arith.cmpi ne, %convert_element_type3A_108, %cond3A_109 : i32
      scf.if %cond3A_110 {
        %add3A_111 = arith.constant 2 : i32
        %add3A_112 = arith.addi %add3A_92, %add3A_111 : i32
        %dma_start3A_113 = arith.constant 1 : i32
        %dma_start3A_114 = arith.constant 0 : i32
        %dma_start3A_115 = arith.constant 0 : i32
        %dma_start3A_116 = tpu.memref_slice %arg8[%dma_start3A_113, %dma_start3A_114, %dma_start3A_115] : memref<2x128x16xf32, #tpu.memory_space<vmem>> -> memref<1x128x16xf32, #tpu.memory_space<vmem>>
        %dma_start3A_117 = tpu.memref_squeeze %dma_start3A_116 : memref<1x128x16xf32, #tpu.memory_space<vmem>> -> memref<128x16xf32, #tpu.memory_space<vmem>>
        %dma_start3A_118 = arith.constant 0 : i32
        %dma_start3A_119 = tpu.memref_slice %arg6[%add3A_112, %dma_start3A_118] : memref<94x128xi32, #tpu.memory_space<vmem>> -> memref<1x128xi32, #tpu.memory_space<vmem>>
        %dma_start3A_120 = tpu.memref_squeeze %dma_start3A_119 : memref<1x128xi32, #tpu.memory_space<vmem>> -> memref<128xi32, #tpu.memory_space<vmem>>
        %dma_start3A_121 = arith.constant 0 : i32
        %dma_start3A_122 = arith.constant 0 : i32
        %dma_start3A_123 = tpu.memref_slice %arg2[%dma_start3A_121, %dma_start3A_122] : memref<10000x16xf32, #tpu.memory_space<hbm>> -> memref<10000x16xf32, #tpu.memory_space<hbm>>
        tpu.enqueue_indirect_dma source(%dma_start3A_123 : memref<10000x16xf32, #tpu.memory_space<hbm>>) target(%dma_start3A_117 : memref<128x16xf32, #tpu.memory_space<vmem>>) offsets(%dma_start3A_120 : memref<128xi32, #tpu.memory_space<vmem>>) semaphore(%arg12 : memref<!tpu.dma_semaphore, #tpu.memory_space<semaphore_mem>>)
      } else {
      }
    }
    %barrier3A_66 = arith.constant 0 : index
    tpu.barrier barrier_id(%barrier3A_66)
    "tpu.trace_stop"() : () -> ()
    "tpu.trace_start"() <{level = 10 : i32, message = "agg_flush"}> : () -> ()
    %mul3A_67 = arith.constant 632 : i32
    %mul3A_68 = arith.muli %arg1, %mul3A_67 : i32
    "tpu.region"() ({
      %run_scoped3A = tpu.sem_alloc : memref<!tpu.dma_semaphore, #tpu.memory_space<semaphore_mem>>
      %dma_start3A_71 = arith.constant 0 : i32
      %dma_start3A_72 = tpu.memref_slice %arg10[%mul3A_68, %dma_start3A_71] : memref<10112x16xf32, #tpu.memory_space<vmem_shared>> -> memref<632x16xf32, #tpu.memory_space<vmem_shared>>
      %dma_start3A_73 = arith.constant 0 : i32
      %dma_start3A_74 = tpu.memref_slice %arg10[%mul3A_68, %dma_start3A_73] : memref<10112x16xf32, #tpu.memory_space<vmem_shared>> -> memref<632x16xf32, #tpu.memory_space<vmem_shared>>
      tpu.enqueue_dma source(%dma_start3A_74 : memref<632x16xf32, #tpu.memory_space<vmem_shared>>) target(%arg9 : memref<632x16xf32, #tpu.memory_space<vmem>>) target_semaphore(%run_scoped3A : memref<!tpu.dma_semaphore, #tpu.memory_space<semaphore_mem>>)
      %dma_wait3A = arith.constant 0 : i32
      %dma_wait3A_75 = tpu.memref_slice %arg10[%mul3A_68, %dma_wait3A] : memref<10112x16xf32, #tpu.memory_space<vmem_shared>> -> memref<632x16xf32, #tpu.memory_space<vmem_shared>>
      %dma_wait3A_76 = arith.constant 0 : i32
      %dma_wait3A_77 = tpu.memref_slice %arg10[%mul3A_68, %dma_wait3A_76] : memref<10112x16xf32, #tpu.memory_space<vmem_shared>> -> memref<632x16xf32, #tpu.memory_space<vmem_shared>>
      tpu.wait_dma2 semaphore(%run_scoped3A : memref<!tpu.dma_semaphore, #tpu.memory_space<semaphore_mem>>) src(%dma_wait3A_77 : memref<632x16xf32, #tpu.memory_space<vmem_shared>>) dst(%arg9 : memref<632x16xf32, #tpu.memory_space<vmem>>)
      tpu.yield
    }) : () -> ()
    %mul3A_69 = arith.constant 632 : i32
    %mul3A_70 = arith.muli %arg1, %mul3A_69 : i32
    "tpu.region"() ({
      %run_scoped3A = tpu.sem_alloc : memref<!tpu.dma_semaphore, #tpu.memory_space<semaphore_mem>>
      %dma_start3A_71 = arith.constant 0 : i32
      %dma_start3A_72 = tpu.memref_slice %arg5[%arg0, %mul3A_70, %dma_start3A_71] : memref<2x10112x16xf32, #tpu.memory_space<hbm>> -> memref<1x632x16xf32, #tpu.memory_space<hbm>>
      %dma_start3A_73 = tpu.memref_squeeze %dma_start3A_72 : memref<1x632x16xf32, #tpu.memory_space<hbm>> -> memref<632x16xf32, #tpu.memory_space<hbm>>
      %dma_start3A_74 = arith.constant 0 : i32
      %dma_start3A_75 = tpu.memref_slice %arg5[%arg0, %mul3A_70, %dma_start3A_74] : memref<2x10112x16xf32, #tpu.memory_space<hbm>> -> memref<1x632x16xf32, #tpu.memory_space<hbm>>
      %dma_start3A_76 = tpu.memref_squeeze %dma_start3A_75 : memref<1x632x16xf32, #tpu.memory_space<hbm>> -> memref<632x16xf32, #tpu.memory_space<hbm>>
      tpu.enqueue_dma source(%arg9 : memref<632x16xf32, #tpu.memory_space<vmem>>) target(%dma_start3A_76 : memref<632x16xf32, #tpu.memory_space<hbm>>) target_semaphore(%run_scoped3A : memref<!tpu.dma_semaphore, #tpu.memory_space<semaphore_mem>>)
      %dma_wait3A = arith.constant 0 : i32
      %dma_wait3A_77 = tpu.memref_slice %arg5[%arg0, %mul3A_70, %dma_wait3A] : memref<2x10112x16xf32, #tpu.memory_space<hbm>> -> memref<1x632x16xf32, #tpu.memory_space<hbm>>
      %dma_wait3A_78 = tpu.memref_squeeze %dma_wait3A_77 : memref<1x632x16xf32, #tpu.memory_space<hbm>> -> memref<632x16xf32, #tpu.memory_space<hbm>>
      %dma_wait3A_79 = arith.constant 0 : i32
      %dma_wait3A_80 = tpu.memref_slice %arg5[%arg0, %mul3A_70, %dma_wait3A_79] : memref<2x10112x16xf32, #tpu.memory_space<hbm>> -> memref<1x632x16xf32, #tpu.memory_space<hbm>>
      %dma_wait3A_81 = tpu.memref_squeeze %dma_wait3A_80 : memref<1x632x16xf32, #tpu.memory_space<hbm>> -> memref<632x16xf32, #tpu.memory_space<hbm>>
      tpu.wait_dma2 semaphore(%run_scoped3A : memref<!tpu.dma_semaphore, #tpu.memory_space<semaphore_mem>>) src(%arg9 : memref<632x16xf32, #tpu.memory_space<vmem>>) dst(%dma_wait3A_81 : memref<632x16xf32, #tpu.memory_space<hbm>>)
      tpu.yield
    }) : () -> ()
    "tpu.trace_stop"() : () -> ()
    return
  }
}

#map = affine_map<(d0, d1) -> (0, 0)>
#map1 = affine_map<(d0, d1) -> (0, 0, 0)>
module attributes {stable_mosaic.version = 14 : i64} {
  func.func @agg(%arg0: i32, %arg1: i32, %arg2: memref<10000x32xf32, #tpu.memory_space<hbm>>, %arg3: memref<2574x128xi32, #tpu.memory_space<hbm>>, %arg4: memref<2574x128xi32, #tpu.memory_space<hbm>>, %arg5: memref<2x10112x32xf32, #tpu.memory_space<hbm>>, %arg6: memref<2x10112x16xf32, #tpu.memory_space<hbm>>, %arg7: memref<80x128xi32, #tpu.memory_space<vmem>>, %arg8: memref<80x128xi32, #tpu.memory_space<vmem>>, %arg9: memref<2x128x32xf32, #tpu.memory_space<vmem>>, %arg10: memref<632x32xf32, #tpu.memory_space<vmem>>, %arg11: memref<10112x32xf32, #tpu.memory_space<vmem_shared>>, %arg12: memref<!tpu.dma_semaphore, #tpu.memory_space<semaphore_mem>>, %arg13: memref<!tpu.dma_semaphore, #tpu.memory_space<semaphore_mem>>, %arg14: memref<128x16xf32, #tpu.memory_space<vmem>>, %arg15: memref<632x16xf32, #tpu.memory_space<vmem>>, %arg16: memref<10112x16xf32, #tpu.memory_space<vmem_shared>>) attributes {dimension_semantics = [#tpu.dimension_semantics<core_parallel>, #tpu.dimension_semantics<subcore_parallel>], iteration_bounds = array<i64: 2, 16>, scalar_prefetch = 0 : i64, scratch_operands = 10 : i64, tpu.core_type = #tpu.core_type<sc_vector_subcore>, window_params = [{transform_indices = #map}, {transform_indices = #map}, {transform_indices = #map}, {transform_indices = #map1}, {transform_indices = #map1}]} {
    %eq3A = arith.constant 0 : i32
    %eq3A_0 = arith.cmpi eq, %arg0, %eq3A : i32
    %mul3A = arith.constant 80 : i32
    %mul3A_1 = arith.muli %arg1, %mul3A : i32
    %mul3A_2 = arith.constant 80 : i32
    %mul3A_3 = arith.muli %arg1, %mul3A_2 : i32
    %add3A = arith.constant 1280 : i32
    %add3A_4 = arith.addi %add3A, %mul3A_3 : i32
    %select_n3A = arith.select %eq3A_0, %mul3A_1, %add3A_4 : i32
    %eq3A_5 = arith.constant 0 : i32
    %eq3A_6 = arith.cmpi eq, %arg0, %eq3A_5 : i32
    %jit3A = arith.constant 80 : i32
    %jit3A_7 = arith.constant 80 : i32
    %select_n3A_8 = arith.select %eq3A_6, %jit3A, %jit3A_7 : i32
    "tpu.trace_start"() <{level = 10 : i32, message = "agg_stage_idx"}> : () -> ()
    "tpu.region"() ({
      %run_scoped3A = tpu.sem_alloc : memref<!tpu.dma_semaphore, #tpu.memory_space<semaphore_mem>>
      %dma_start3A_83 = arith.constant 0 : i32
      %dma_start3A_84 = tpu.memref_slice %arg3[%select_n3A, %dma_start3A_83] : memref<2574x128xi32, #tpu.memory_space<hbm>> -> memref<80x128xi32, #tpu.memory_space<hbm>>
      %dma_start3A_85 = arith.constant 0 : i32
      %dma_start3A_86 = tpu.memref_slice %arg3[%select_n3A, %dma_start3A_85] : memref<2574x128xi32, #tpu.memory_space<hbm>> -> memref<80x128xi32, #tpu.memory_space<hbm>>
      tpu.enqueue_dma source(%dma_start3A_86 : memref<80x128xi32, #tpu.memory_space<hbm>>) target(%arg7 : memref<80x128xi32, #tpu.memory_space<vmem>>) target_semaphore(%run_scoped3A : memref<!tpu.dma_semaphore, #tpu.memory_space<semaphore_mem>>)
      %dma_wait3A = arith.constant 0 : i32
      %dma_wait3A_87 = tpu.memref_slice %arg3[%select_n3A, %dma_wait3A] : memref<2574x128xi32, #tpu.memory_space<hbm>> -> memref<80x128xi32, #tpu.memory_space<hbm>>
      %dma_wait3A_88 = arith.constant 0 : i32
      %dma_wait3A_89 = tpu.memref_slice %arg3[%select_n3A, %dma_wait3A_88] : memref<2574x128xi32, #tpu.memory_space<hbm>> -> memref<80x128xi32, #tpu.memory_space<hbm>>
      tpu.wait_dma2 semaphore(%run_scoped3A : memref<!tpu.dma_semaphore, #tpu.memory_space<semaphore_mem>>) src(%dma_wait3A_89 : memref<80x128xi32, #tpu.memory_space<hbm>>) dst(%arg7 : memref<80x128xi32, #tpu.memory_space<vmem>>)
      tpu.yield
    }) : () -> ()
    "tpu.region"() ({
      %run_scoped3A = tpu.sem_alloc : memref<!tpu.dma_semaphore, #tpu.memory_space<semaphore_mem>>
      %dma_start3A_83 = arith.constant 0 : i32
      %dma_start3A_84 = tpu.memref_slice %arg4[%select_n3A, %dma_start3A_83] : memref<2574x128xi32, #tpu.memory_space<hbm>> -> memref<80x128xi32, #tpu.memory_space<hbm>>
      %dma_start3A_85 = arith.constant 0 : i32
      %dma_start3A_86 = tpu.memref_slice %arg4[%select_n3A, %dma_start3A_85] : memref<2574x128xi32, #tpu.memory_space<hbm>> -> memref<80x128xi32, #tpu.memory_space<hbm>>
      tpu.enqueue_dma source(%dma_start3A_86 : memref<80x128xi32, #tpu.memory_space<hbm>>) target(%arg8 : memref<80x128xi32, #tpu.memory_space<vmem>>) target_semaphore(%run_scoped3A : memref<!tpu.dma_semaphore, #tpu.memory_space<semaphore_mem>>)
      %dma_wait3A = arith.constant 0 : i32
      %dma_wait3A_87 = tpu.memref_slice %arg4[%select_n3A, %dma_wait3A] : memref<2574x128xi32, #tpu.memory_space<hbm>> -> memref<80x128xi32, #tpu.memory_space<hbm>>
      %dma_wait3A_88 = arith.constant 0 : i32
      %dma_wait3A_89 = tpu.memref_slice %arg4[%select_n3A, %dma_wait3A_88] : memref<2574x128xi32, #tpu.memory_space<hbm>> -> memref<80x128xi32, #tpu.memory_space<hbm>>
      tpu.wait_dma2 semaphore(%run_scoped3A : memref<!tpu.dma_semaphore, #tpu.memory_space<semaphore_mem>>) src(%dma_wait3A_89 : memref<80x128xi32, #tpu.memory_space<hbm>>) dst(%arg8 : memref<80x128xi32, #tpu.memory_space<vmem>>)
      tpu.yield
    }) : () -> ()
    %dma_start3A = arith.constant 0 : i32
    %dma_start3A_9 = arith.constant 0 : i32
    %dma_start3A_10 = arith.constant 0 : i32
    %dma_start3A_11 = arith.constant 0 : i32
    %dma_start3A_12 = tpu.memref_slice %arg9[%dma_start3A_9, %dma_start3A_10, %dma_start3A_11] : memref<2x128x32xf32, #tpu.memory_space<vmem>> -> memref<1x128x32xf32, #tpu.memory_space<vmem>>
    %dma_start3A_13 = tpu.memref_squeeze %dma_start3A_12 : memref<1x128x32xf32, #tpu.memory_space<vmem>> -> memref<128x32xf32, #tpu.memory_space<vmem>>
    %dma_start3A_14 = arith.constant 0 : i32
    %dma_start3A_15 = tpu.memref_slice %arg7[%dma_start3A, %dma_start3A_14] : memref<80x128xi32, #tpu.memory_space<vmem>> -> memref<1x128xi32, #tpu.memory_space<vmem>>
    %dma_start3A_16 = tpu.memref_squeeze %dma_start3A_15 : memref<1x128xi32, #tpu.memory_space<vmem>> -> memref<128xi32, #tpu.memory_space<vmem>>
    %dma_start3A_17 = arith.constant 0 : i32
    %dma_start3A_18 = arith.constant 0 : i32
    %dma_start3A_19 = tpu.memref_slice %arg2[%dma_start3A_17, %dma_start3A_18] : memref<10000x32xf32, #tpu.memory_space<hbm>> -> memref<10000x32xf32, #tpu.memory_space<hbm>>
    tpu.enqueue_indirect_dma source(%dma_start3A_19 : memref<10000x32xf32, #tpu.memory_space<hbm>>) target(%dma_start3A_13 : memref<128x32xf32, #tpu.memory_space<vmem>>) offsets(%dma_start3A_16 : memref<128xi32, #tpu.memory_space<vmem>>) semaphore(%arg12 : memref<!tpu.dma_semaphore, #tpu.memory_space<semaphore_mem>>)
    %dma_start3A_20 = arith.constant 1 : i32
    %dma_start3A_21 = arith.constant 1 : i32
    %dma_start3A_22 = arith.constant 0 : i32
    %dma_start3A_23 = arith.constant 0 : i32
    %dma_start3A_24 = tpu.memref_slice %arg9[%dma_start3A_21, %dma_start3A_22, %dma_start3A_23] : memref<2x128x32xf32, #tpu.memory_space<vmem>> -> memref<1x128x32xf32, #tpu.memory_space<vmem>>
    %dma_start3A_25 = tpu.memref_squeeze %dma_start3A_24 : memref<1x128x32xf32, #tpu.memory_space<vmem>> -> memref<128x32xf32, #tpu.memory_space<vmem>>
    %dma_start3A_26 = arith.constant 0 : i32
    %dma_start3A_27 = tpu.memref_slice %arg7[%dma_start3A_20, %dma_start3A_26] : memref<80x128xi32, #tpu.memory_space<vmem>> -> memref<1x128xi32, #tpu.memory_space<vmem>>
    %dma_start3A_28 = tpu.memref_squeeze %dma_start3A_27 : memref<1x128xi32, #tpu.memory_space<vmem>> -> memref<128xi32, #tpu.memory_space<vmem>>
    %dma_start3A_29 = arith.constant 0 : i32
    %dma_start3A_30 = arith.constant 0 : i32
    %dma_start3A_31 = tpu.memref_slice %arg2[%dma_start3A_29, %dma_start3A_30] : memref<10000x32xf32, #tpu.memory_space<hbm>> -> memref<10000x32xf32, #tpu.memory_space<hbm>>
    tpu.enqueue_indirect_dma source(%dma_start3A_31 : memref<10000x32xf32, #tpu.memory_space<hbm>>) target(%dma_start3A_25 : memref<128x32xf32, #tpu.memory_space<vmem>>) offsets(%dma_start3A_28 : memref<128xi32, #tpu.memory_space<vmem>>) semaphore(%arg13 : memref<!tpu.dma_semaphore, #tpu.memory_space<semaphore_mem>>)
    "tpu.trace_stop"() : () -> ()
    "tpu.trace_start"() <{level = 10 : i32, message = "agg_zero"}> : () -> ()
    %scan3A = arith.constant 0 : i32
    %scan3A_32 = arith.constant 0 : i32
    %scan3A_33 = arith.constant 632 : i32
    %scan3A_34 = arith.addi %scan3A_32, %scan3A_33 : i32
    %scan3A_35 = arith.constant 1 : i32
    scf.for %scan3A_83 = %scan3A_32 to %scan3A_34 step %scan3A_35  : i32 {
      %broadcast_in_dim3A = arith.constant 0.000000e+00 : f32
      %broadcast_in_dim3A_84 = vector.broadcast %broadcast_in_dim3A : f32 to vector<16xf32>
      %swap3A = arith.index_cast %scan3A_83 : i32 to index
      %swap3A_85 = arith.constant 0 : index
      %swap3A_86 = tpu.vector_load %arg10[%swap3A, %swap3A_85] {strides = array<i32>} : memref<632x32xf32, #tpu.memory_space<vmem>>, vector<1x16xf32>,
      %swap3A_87 = vector.shape_cast %swap3A_86 : vector<1x16xf32> to vector<16xf32>
      %swap3A_88 = vector.shape_cast %broadcast_in_dim3A_84 : vector<16xf32> to vector<1x16xf32>
      tpu.vector_store %arg10[%swap3A, %swap3A_85], %swap3A_88 {strides = array<i32>} : memref<632x32xf32, #tpu.memory_space<vmem>>, vector<1x16xf32>,
      %broadcast_in_dim3A_89 = arith.constant 0.000000e+00 : f32
      %broadcast_in_dim3A_90 = vector.broadcast %broadcast_in_dim3A_89 : f32 to vector<16xf32>
      %swap3A_91 = arith.index_cast %scan3A_83 : i32 to index
      %swap3A_92 = arith.constant 16 : index
      %swap3A_93 = tpu.vector_load %arg10[%swap3A_91, %swap3A_92] {strides = array<i32>} : memref<632x32xf32, #tpu.memory_space<vmem>>, vector<1x16xf32>,
      %swap3A_94 = vector.shape_cast %swap3A_93 : vector<1x16xf32> to vector<16xf32>
      %swap3A_95 = vector.shape_cast %broadcast_in_dim3A_90 : vector<16xf32> to vector<1x16xf32>
      tpu.vector_store %arg10[%swap3A_91, %swap3A_92], %swap3A_95 {strides = array<i32>} : memref<632x32xf32, #tpu.memory_space<vmem>>, vector<1x16xf32>,
      %broadcast_in_dim3A_96 = arith.constant 0.000000e+00 : f32
      %broadcast_in_dim3A_97 = vector.broadcast %broadcast_in_dim3A_96 : f32 to vector<16xf32>
      %swap3A_98 = arith.index_cast %scan3A_83 : i32 to index
      %swap3A_99 = arith.constant 0 : index
      %swap3A_100 = tpu.vector_load %arg15[%swap3A_98, %swap3A_99] {strides = array<i32>} : memref<632x16xf32, #tpu.memory_space<vmem>>, vector<1x16xf32>,
      %swap3A_101 = vector.shape_cast %swap3A_100 : vector<1x16xf32> to vector<16xf32>
      %swap3A_102 = vector.shape_cast %broadcast_in_dim3A_97 : vector<16xf32> to vector<1x16xf32>
      tpu.vector_store %arg15[%swap3A_98, %swap3A_99], %swap3A_102 {strides = array<i32>} : memref<632x16xf32, #tpu.memory_space<vmem>>, vector<1x16xf32>,
    }
    %scan3A_36 = arith.constant 632 : i32
    %mul3A_37 = arith.constant 632 : i32
    %mul3A_38 = arith.muli %arg1, %mul3A_37 : i32
    "tpu.region"() ({
      %run_scoped3A = tpu.sem_alloc : memref<!tpu.dma_semaphore, #tpu.memory_space<semaphore_mem>>
      %dma_start3A_83 = arith.constant 0 : i32
      %dma_start3A_84 = tpu.memref_slice %arg11[%mul3A_38, %dma_start3A_83] : memref<10112x32xf32, #tpu.memory_space<vmem_shared>> -> memref<632x32xf32, #tpu.memory_space<vmem_shared>>
      %dma_start3A_85 = arith.constant 0 : i32
      %dma_start3A_86 = tpu.memref_slice %arg11[%mul3A_38, %dma_start3A_85] : memref<10112x32xf32, #tpu.memory_space<vmem_shared>> -> memref<632x32xf32, #tpu.memory_space<vmem_shared>>
      tpu.enqueue_dma source(%arg10 : memref<632x32xf32, #tpu.memory_space<vmem>>) target(%dma_start3A_86 : memref<632x32xf32, #tpu.memory_space<vmem_shared>>) target_semaphore(%run_scoped3A : memref<!tpu.dma_semaphore, #tpu.memory_space<semaphore_mem>>)
      %dma_wait3A = arith.constant 0 : i32
      %dma_wait3A_87 = tpu.memref_slice %arg11[%mul3A_38, %dma_wait3A] : memref<10112x32xf32, #tpu.memory_space<vmem_shared>> -> memref<632x32xf32, #tpu.memory_space<vmem_shared>>
      %dma_wait3A_88 = arith.constant 0 : i32
      %dma_wait3A_89 = tpu.memref_slice %arg11[%mul3A_38, %dma_wait3A_88] : memref<10112x32xf32, #tpu.memory_space<vmem_shared>> -> memref<632x32xf32, #tpu.memory_space<vmem_shared>>
      tpu.wait_dma2 semaphore(%run_scoped3A : memref<!tpu.dma_semaphore, #tpu.memory_space<semaphore_mem>>) src(%arg10 : memref<632x32xf32, #tpu.memory_space<vmem>>) dst(%dma_wait3A_89 : memref<632x32xf32, #tpu.memory_space<vmem_shared>>)
      tpu.yield
    }) : () -> ()
    %scan3A_39 = arith.constant 0 : i32
    %scan3A_40 = arith.constant 0 : i32
    %scan3A_41 = arith.constant 128 : i32
    %scan3A_42 = arith.addi %scan3A_40, %scan3A_41 : i32
    %scan3A_43 = arith.constant 1 : i32
    scf.for %scan3A_83 = %scan3A_40 to %scan3A_42 step %scan3A_43  : i32 {
      %broadcast_in_dim3A = arith.constant 1.000000e+00 : f32
      %broadcast_in_dim3A_84 = vector.broadcast %broadcast_in_dim3A : f32 to vector<16xf32>
      %swap3A = arith.index_cast %scan3A_83 : i32 to index
      %swap3A_85 = arith.constant 0 : index
      %swap3A_86 = tpu.vector_load %arg14[%swap3A, %swap3A_85] {strides = array<i32>} : memref<128x16xf32, #tpu.memory_space<vmem>>, vector<1x16xf32>,
      %swap3A_87 = vector.shape_cast %swap3A_86 : vector<1x16xf32> to vector<16xf32>
      %swap3A_88 = vector.shape_cast %broadcast_in_dim3A_84 : vector<16xf32> to vector<1x16xf32>
      tpu.vector_store %arg14[%swap3A, %swap3A_85], %swap3A_88 {strides = array<i32>} : memref<128x16xf32, #tpu.memory_space<vmem>>, vector<1x16xf32>,
    }
    %scan3A_44 = arith.constant 128 : i32
    %mul3A_45 = arith.constant 632 : i32
    %mul3A_46 = arith.muli %arg1, %mul3A_45 : i32
    "tpu.region"() ({
      %run_scoped3A = tpu.sem_alloc : memref<!tpu.dma_semaphore, #tpu.memory_space<semaphore_mem>>
      %dma_start3A_83 = arith.constant 0 : i32
      %dma_start3A_84 = tpu.memref_slice %arg16[%mul3A_46, %dma_start3A_83] : memref<10112x16xf32, #tpu.memory_space<vmem_shared>> -> memref<632x16xf32, #tpu.memory_space<vmem_shared>>
      %dma_start3A_85 = arith.constant 0 : i32
      %dma_start3A_86 = tpu.memref_slice %arg16[%mul3A_46, %dma_start3A_85] : memref<10112x16xf32, #tpu.memory_space<vmem_shared>> -> memref<632x16xf32, #tpu.memory_space<vmem_shared>>
      tpu.enqueue_dma source(%arg15 : memref<632x16xf32, #tpu.memory_space<vmem>>) target(%dma_start3A_86 : memref<632x16xf32, #tpu.memory_space<vmem_shared>>) target_semaphore(%run_scoped3A : memref<!tpu.dma_semaphore, #tpu.memory_space<semaphore_mem>>)
      %dma_wait3A = arith.constant 0 : i32
      %dma_wait3A_87 = tpu.memref_slice %arg16[%mul3A_46, %dma_wait3A] : memref<10112x16xf32, #tpu.memory_space<vmem_shared>> -> memref<632x16xf32, #tpu.memory_space<vmem_shared>>
      %dma_wait3A_88 = arith.constant 0 : i32
      %dma_wait3A_89 = tpu.memref_slice %arg16[%mul3A_46, %dma_wait3A_88] : memref<10112x16xf32, #tpu.memory_space<vmem_shared>> -> memref<632x16xf32, #tpu.memory_space<vmem_shared>>
      tpu.wait_dma2 semaphore(%run_scoped3A : memref<!tpu.dma_semaphore, #tpu.memory_space<semaphore_mem>>) src(%arg15 : memref<632x16xf32, #tpu.memory_space<vmem>>) dst(%dma_wait3A_89 : memref<632x16xf32, #tpu.memory_space<vmem_shared>>)
      tpu.yield
    }) : () -> ()
    %barrier3A = arith.constant 0 : index
    tpu.barrier barrier_id(%barrier3A)
    %jit3A_47 = arith.constant 2 : i32
    "tpu.trace_stop"() : () -> ()
    "tpu.trace_start"() <{level = 10 : i32, message = "agg_main"}> : () -> ()
    %div3A = arith.divsi %select_n3A_8, %jit3A_47 : i32
    %sign3A = arith.constant 0 : i32
    %sign3A_48 = arith.cmpi sgt, %select_n3A_8, %sign3A : i32
    %sign3A_49 = arith.extui %sign3A_48 : i1 to i32
    %sign3A_50 = arith.constant 0 : i32
    %sign3A_51 = arith.cmpi slt, %select_n3A_8, %sign3A_50 : i32
    %sign3A_52 = arith.extui %sign3A_51 : i1 to i32
    %sign3A_53 = arith.subi %sign3A_49, %sign3A_52 : i32
    %sign3A_54 = arith.constant 0 : i32
    %sign3A_55 = arith.cmpi sgt, %jit3A_47, %sign3A_54 : i32
    %sign3A_56 = arith.extui %sign3A_55 : i1 to i32
    %sign3A_57 = arith.constant 0 : i32
    %sign3A_58 = arith.cmpi slt, %jit3A_47, %sign3A_57 : i32
    %sign3A_59 = arith.extui %sign3A_58 : i1 to i32
    %sign3A_60 = arith.subi %sign3A_56, %sign3A_59 : i32
    %ne3A = arith.cmpi ne, %sign3A_53, %sign3A_60 : i32
    %rem3A = arith.remsi %select_n3A_8, %jit3A_47 : i32
    %ne3A_61 = arith.constant 0 : i32
    %ne3A_62 = arith.cmpi ne, %rem3A, %ne3A_61 : i32
    %and3A = arith.andi %ne3A, %ne3A_62 : i1
    %sub3A = arith.constant 1 : i32
    %sub3A_63 = arith.subi %div3A, %sub3A : i32
    %select_n3A_64 = arith.select %and3A, %sub3A_63, %div3A : i32
    %while3A = arith.constant 0 : i32
    %while3A_65 = arith.constant 0 : i32
    %while3A_66 = arith.subi %select_n3A_64, %while3A_65 : i32
    %while3A_67 = arith.addi %while3A_65, %while3A_66 : i32
    %while3A_68 = arith.constant 1 : i32
    %while3A_69 = arith.divsi %while3A_66, %while3A_68 : i32
    %while3A_70 = arith.muli %while3A_69, %while3A_68 : i32
    %while3A_71 = arith.addi %while3A_65, %while3A_70 : i32
    %while3A_72 = arith.constant 1 : i32
    scf.for %while3A_83 = %while3A_65 to %while3A_71 step %while3A_72  : i32 {
      %mul3A_84 = arith.constant 2 : i32
      %mul3A_85 = arith.muli %mul3A_84, %while3A_83 : i32
      %add3A_86 = arith.constant 0 : i32
      %add3A_87 = arith.addi %mul3A_85, %add3A_86 : i32
      %dma_wait3A = arith.constant 0 : i32
      %dma_wait3A_88 = arith.constant 0 : i32
      %dma_wait3A_89 = arith.constant 0 : i32
      %dma_wait3A_90 = tpu.memref_slice %arg9[%dma_wait3A, %dma_wait3A_88, %dma_wait3A_89] : memref<2x128x32xf32, #tpu.memory_space<vmem>> -> memref<1x128x32xf32, #tpu.memory_space<vmem>>
      %dma_wait3A_91 = tpu.memref_squeeze %dma_wait3A_90 : memref<1x128x32xf32, #tpu.memory_space<vmem>> -> memref<128x32xf32, #tpu.memory_space<vmem>>
      %dma_wait3A_92 = arith.constant 0 : i32
      %dma_wait3A_93 = tpu.memref_slice %arg7[%add3A_87, %dma_wait3A_92] : memref<80x128xi32, #tpu.memory_space<vmem>> -> memref<1x128xi32, #tpu.memory_space<vmem>>
      %dma_wait3A_94 = tpu.memref_squeeze %dma_wait3A_93 : memref<1x128xi32, #tpu.memory_space<vmem>> -> memref<128xi32, #tpu.memory_space<vmem>>
      %dma_wait3A_95 = arith.constant 0 : i32
      %dma_wait3A_96 = arith.constant 0 : i32
      %dma_wait3A_97 = tpu.memref_slice %arg2[%dma_wait3A_95, %dma_wait3A_96] : memref<10000x32xf32, #tpu.memory_space<hbm>> -> memref<10000x32xf32, #tpu.memory_space<hbm>>
      tpu.wait_indirect_dma semaphore(%arg12 : memref<!tpu.dma_semaphore, #tpu.memory_space<semaphore_mem>>) src(%dma_wait3A_97 : memref<10000x32xf32, #tpu.memory_space<hbm>>) dst(%dma_wait3A_91 : memref<128x32xf32, #tpu.memory_space<vmem>>)
      %run_scoped3A = arith.constant 0 : i32
      "tpu.region"() ({
        %run_scoped3A_123 = tpu.sem_alloc : memref<!tpu.dma_semaphore, #tpu.memory_space<semaphore_mem>>
        %dma_start3A_124 = arith.constant 0 : i32
        %dma_start3A_125 = arith.constant 0 : i32
        %dma_start3A_126 = tpu.memref_slice %arg9[%run_scoped3A, %dma_start3A_124, %dma_start3A_125] : memref<2x128x32xf32, #tpu.memory_space<vmem>> -> memref<1x128x32xf32, #tpu.memory_space<vmem>>
        %dma_start3A_127 = tpu.memref_squeeze %dma_start3A_126 : memref<1x128x32xf32, #tpu.memory_space<vmem>> -> memref<128x32xf32, #tpu.memory_space<vmem>>
        %dma_start3A_128 = arith.constant 0 : i32
        %dma_start3A_129 = tpu.memref_slice %arg8[%add3A_87, %dma_start3A_128] : memref<80x128xi32, #tpu.memory_space<vmem>> -> memref<1x128xi32, #tpu.memory_space<vmem>>
        %dma_start3A_130 = tpu.memref_squeeze %dma_start3A_129 : memref<1x128xi32, #tpu.memory_space<vmem>> -> memref<128xi32, #tpu.memory_space<vmem>>
        %dma_start3A_131 = arith.constant 0 : i32
        %dma_start3A_132 = arith.constant 0 : i32
        %dma_start3A_133 = tpu.memref_slice %arg11[%dma_start3A_131, %dma_start3A_132] : memref<10112x32xf32, #tpu.memory_space<vmem_shared>> -> memref<10112x32xf32, #tpu.memory_space<vmem_shared>>
        tpu.enqueue_indirect_dma source(%dma_start3A_127 : memref<128x32xf32, #tpu.memory_space<vmem>>) target(%dma_start3A_133 : memref<10112x32xf32, #tpu.memory_space<vmem_shared>>) offsets(%dma_start3A_130 : memref<128xi32, #tpu.memory_space<vmem>>) semaphore(%run_scoped3A_123 : memref<!tpu.dma_semaphore, #tpu.memory_space<semaphore_mem>>) {add = true}
        %dma_wait3A_134 = arith.constant 0 : i32
        %dma_wait3A_135 = arith.constant 0 : i32
        %dma_wait3A_136 = tpu.memref_slice %arg9[%run_scoped3A, %dma_wait3A_134, %dma_wait3A_135] : memref<2x128x32xf32, #tpu.memory_space<vmem>> -> memref<1x128x32xf32, #tpu.memory_space<vmem>>
        %dma_wait3A_137 = tpu.memref_squeeze %dma_wait3A_136 : memref<1x128x32xf32, #tpu.memory_space<vmem>> -> memref<128x32xf32, #tpu.memory_space<vmem>>
        %dma_wait3A_138 = arith.constant 0 : i32
        %dma_wait3A_139 = tpu.memref_slice %arg8[%add3A_87, %dma_wait3A_138] : memref<80x128xi32, #tpu.memory_space<vmem>> -> memref<1x128xi32, #tpu.memory_space<vmem>>
        %dma_wait3A_140 = tpu.memref_squeeze %dma_wait3A_139 : memref<1x128xi32, #tpu.memory_space<vmem>> -> memref<128xi32, #tpu.memory_space<vmem>>
        %dma_wait3A_141 = arith.constant 0 : i32
        %dma_wait3A_142 = arith.constant 0 : i32
        %dma_wait3A_143 = tpu.memref_slice %arg11[%dma_wait3A_141, %dma_wait3A_142] : memref<10112x32xf32, #tpu.memory_space<vmem_shared>> -> memref<10112x32xf32, #tpu.memory_space<vmem_shared>>
        tpu.wait_indirect_dma semaphore(%run_scoped3A_123 : memref<!tpu.dma_semaphore, #tpu.memory_space<semaphore_mem>>) src(%dma_wait3A_137 : memref<128x32xf32, #tpu.memory_space<vmem>>) dst(%dma_wait3A_143 : memref<10112x32xf32, #tpu.memory_space<vmem_shared>>)
        tpu.yield
      }) : () -> ()
      "tpu.region"() ({
        %run_scoped3A_123 = tpu.sem_alloc : memref<!tpu.dma_semaphore, #tpu.memory_space<semaphore_mem>>
        %dma_start3A_124 = arith.constant 0 : i32
        %dma_start3A_125 = tpu.memref_slice %arg8[%add3A_87, %dma_start3A_124] : memref<80x128xi32, #tpu.memory_space<vmem>> -> memref<1x128xi32, #tpu.memory_space<vmem>>
        %dma_start3A_126 = tpu.memref_squeeze %dma_start3A_125 : memref<1x128xi32, #tpu.memory_space<vmem>> -> memref<128xi32, #tpu.memory_space<vmem>>
        %dma_start3A_127 = arith.constant 0 : i32
        %dma_start3A_128 = arith.constant 0 : i32
        %dma_start3A_129 = tpu.memref_slice %arg16[%dma_start3A_127, %dma_start3A_128] : memref<10112x16xf32, #tpu.memory_space<vmem_shared>> -> memref<10112x16xf32, #tpu.memory_space<vmem_shared>>
        tpu.enqueue_indirect_dma source(%arg14 : memref<128x16xf32, #tpu.memory_space<vmem>>) target(%dma_start3A_129 : memref<10112x16xf32, #tpu.memory_space<vmem_shared>>) offsets(%dma_start3A_126 : memref<128xi32, #tpu.memory_space<vmem>>) semaphore(%run_scoped3A_123 : memref<!tpu.dma_semaphore, #tpu.memory_space<semaphore_mem>>) {add = true}
        %dma_wait3A_130 = arith.constant 0 : i32
        %dma_wait3A_131 = tpu.memref_slice %arg8[%add3A_87, %dma_wait3A_130] : memref<80x128xi32, #tpu.memory_space<vmem>> -> memref<1x128xi32, #tpu.memory_space<vmem>>
        %dma_wait3A_132 = tpu.memref_squeeze %dma_wait3A_131 : memref<1x128xi32, #tpu.memory_space<vmem>> -> memref<128xi32, #tpu.memory_space<vmem>>
        %dma_wait3A_133 = arith.constant 0 : i32
        %dma_wait3A_134 = arith.constant 0 : i32
        %dma_wait3A_135 = tpu.memref_slice %arg16[%dma_wait3A_133, %dma_wait3A_134] : memref<10112x16xf32, #tpu.memory_space<vmem_shared>> -> memref<10112x16xf32, #tpu.memory_space<vmem_shared>>
        tpu.wait_indirect_dma semaphore(%run_scoped3A_123 : memref<!tpu.dma_semaphore, #tpu.memory_space<semaphore_mem>>) src(%arg14 : memref<128x16xf32, #tpu.memory_space<vmem>>) dst(%dma_wait3A_135 : memref<10112x16xf32, #tpu.memory_space<vmem_shared>>)
        tpu.yield
      }) : () -> ()
      %add3A_98 = arith.constant 2 : i32
      %add3A_99 = arith.addi %add3A_87, %add3A_98 : i32
      %lt3A = arith.cmpi slt, %add3A_99, %select_n3A_8 : i32
      %convert_element_type3A = arith.extui %lt3A : i1 to i32
      %cond3A = arith.constant 0 : i32
      %cond3A_100 = arith.cmpi ne, %convert_element_type3A, %cond3A : i32
      scf.if %cond3A_100 {
        %add3A_123 = arith.constant 2 : i32
        %add3A_124 = arith.addi %add3A_87, %add3A_123 : i32
        %dma_start3A_125 = arith.constant 0 : i32
        %dma_start3A_126 = arith.constant 0 : i32
        %dma_start3A_127 = arith.constant 0 : i32
        %dma_start3A_128 = tpu.memref_slice %arg9[%dma_start3A_125, %dma_start3A_126, %dma_start3A_127] : memref<2x128x32xf32, #tpu.memory_space<vmem>> -> memref<1x128x32xf32, #tpu.memory_space<vmem>>
        %dma_start3A_129 = tpu.memref_squeeze %dma_start3A_128 : memref<1x128x32xf32, #tpu.memory_space<vmem>> -> memref<128x32xf32, #tpu.memory_space<vmem>>
        %dma_start3A_130 = arith.constant 0 : i32
        %dma_start3A_131 = tpu.memref_slice %arg7[%add3A_124, %dma_start3A_130] : memref<80x128xi32, #tpu.memory_space<vmem>> -> memref<1x128xi32, #tpu.memory_space<vmem>>
        %dma_start3A_132 = tpu.memref_squeeze %dma_start3A_131 : memref<1x128xi32, #tpu.memory_space<vmem>> -> memref<128xi32, #tpu.memory_space<vmem>>
        %dma_start3A_133 = arith.constant 0 : i32
        %dma_start3A_134 = arith.constant 0 : i32
        %dma_start3A_135 = tpu.memref_slice %arg2[%dma_start3A_133, %dma_start3A_134] : memref<10000x32xf32, #tpu.memory_space<hbm>> -> memref<10000x32xf32, #tpu.memory_space<hbm>>
        tpu.enqueue_indirect_dma source(%dma_start3A_135 : memref<10000x32xf32, #tpu.memory_space<hbm>>) target(%dma_start3A_129 : memref<128x32xf32, #tpu.memory_space<vmem>>) offsets(%dma_start3A_132 : memref<128xi32, #tpu.memory_space<vmem>>) semaphore(%arg12 : memref<!tpu.dma_semaphore, #tpu.memory_space<semaphore_mem>>)
      } else {
      }
      %mul3A_101 = arith.constant 2 : i32
      %mul3A_102 = arith.muli %mul3A_101, %while3A_83 : i32
      %add3A_103 = arith.constant 1 : i32
      %add3A_104 = arith.addi %mul3A_102, %add3A_103 : i32
      %dma_wait3A_105 = arith.constant 1 : i32
      %dma_wait3A_106 = arith.constant 0 : i32
      %dma_wait3A_107 = arith.constant 0 : i32
      %dma_wait3A_108 = tpu.memref_slice %arg9[%dma_wait3A_105, %dma_wait3A_106, %dma_wait3A_107] : memref<2x128x32xf32, #tpu.memory_space<vmem>> -> memref<1x128x32xf32, #tpu.memory_space<vmem>>
      %dma_wait3A_109 = tpu.memref_squeeze %dma_wait3A_108 : memref<1x128x32xf32, #tpu.memory_space<vmem>> -> memref<128x32xf32, #tpu.memory_space<vmem>>
      %dma_wait3A_110 = arith.constant 0 : i32
      %dma_wait3A_111 = tpu.memref_slice %arg7[%add3A_104, %dma_wait3A_110] : memref<80x128xi32, #tpu.memory_space<vmem>> -> memref<1x128xi32, #tpu.memory_space<vmem>>
      %dma_wait3A_112 = tpu.memref_squeeze %dma_wait3A_111 : memref<1x128xi32, #tpu.memory_space<vmem>> -> memref<128xi32, #tpu.memory_space<vmem>>
      %dma_wait3A_113 = arith.constant 0 : i32
      %dma_wait3A_114 = arith.constant 0 : i32
      %dma_wait3A_115 = tpu.memref_slice %arg2[%dma_wait3A_113, %dma_wait3A_114] : memref<10000x32xf32, #tpu.memory_space<hbm>> -> memref<10000x32xf32, #tpu.memory_space<hbm>>
      tpu.wait_indirect_dma semaphore(%arg13 : memref<!tpu.dma_semaphore, #tpu.memory_space<semaphore_mem>>) src(%dma_wait3A_115 : memref<10000x32xf32, #tpu.memory_space<hbm>>) dst(%dma_wait3A_109 : memref<128x32xf32, #tpu.memory_space<vmem>>)
      %run_scoped3A_116 = arith.constant 1 : i32
      "tpu.region"() ({
        %run_scoped3A_123 = tpu.sem_alloc : memref<!tpu.dma_semaphore, #tpu.memory_space<semaphore_mem>>
        %dma_start3A_124 = arith.constant 0 : i32
        %dma_start3A_125 = arith.constant 0 : i32
        %dma_start3A_126 = tpu.memref_slice %arg9[%run_scoped3A_116, %dma_start3A_124, %dma_start3A_125] : memref<2x128x32xf32, #tpu.memory_space<vmem>> -> memref<1x128x32xf32, #tpu.memory_space<vmem>>
        %dma_start3A_127 = tpu.memref_squeeze %dma_start3A_126 : memref<1x128x32xf32, #tpu.memory_space<vmem>> -> memref<128x32xf32, #tpu.memory_space<vmem>>
        %dma_start3A_128 = arith.constant 0 : i32
        %dma_start3A_129 = tpu.memref_slice %arg8[%add3A_104, %dma_start3A_128] : memref<80x128xi32, #tpu.memory_space<vmem>> -> memref<1x128xi32, #tpu.memory_space<vmem>>
        %dma_start3A_130 = tpu.memref_squeeze %dma_start3A_129 : memref<1x128xi32, #tpu.memory_space<vmem>> -> memref<128xi32, #tpu.memory_space<vmem>>
        %dma_start3A_131 = arith.constant 0 : i32
        %dma_start3A_132 = arith.constant 0 : i32
        %dma_start3A_133 = tpu.memref_slice %arg11[%dma_start3A_131, %dma_start3A_132] : memref<10112x32xf32, #tpu.memory_space<vmem_shared>> -> memref<10112x32xf32, #tpu.memory_space<vmem_shared>>
        tpu.enqueue_indirect_dma source(%dma_start3A_127 : memref<128x32xf32, #tpu.memory_space<vmem>>) target(%dma_start3A_133 : memref<10112x32xf32, #tpu.memory_space<vmem_shared>>) offsets(%dma_start3A_130 : memref<128xi32, #tpu.memory_space<vmem>>) semaphore(%run_scoped3A_123 : memref<!tpu.dma_semaphore, #tpu.memory_space<semaphore_mem>>) {add = true}
        %dma_wait3A_134 = arith.constant 0 : i32
        %dma_wait3A_135 = arith.constant 0 : i32
        %dma_wait3A_136 = tpu.memref_slice %arg9[%run_scoped3A_116, %dma_wait3A_134, %dma_wait3A_135] : memref<2x128x32xf32, #tpu.memory_space<vmem>> -> memref<1x128x32xf32, #tpu.memory_space<vmem>>
        %dma_wait3A_137 = tpu.memref_squeeze %dma_wait3A_136 : memref<1x128x32xf32, #tpu.memory_space<vmem>> -> memref<128x32xf32, #tpu.memory_space<vmem>>
        %dma_wait3A_138 = arith.constant 0 : i32
        %dma_wait3A_139 = tpu.memref_slice %arg8[%add3A_104, %dma_wait3A_138] : memref<80x128xi32, #tpu.memory_space<vmem>> -> memref<1x128xi32, #tpu.memory_space<vmem>>
        %dma_wait3A_140 = tpu.memref_squeeze %dma_wait3A_139 : memref<1x128xi32, #tpu.memory_space<vmem>> -> memref<128xi32, #tpu.memory_space<vmem>>
        %dma_wait3A_141 = arith.constant 0 : i32
        %dma_wait3A_142 = arith.constant 0 : i32
        %dma_wait3A_143 = tpu.memref_slice %arg11[%dma_wait3A_141, %dma_wait3A_142] : memref<10112x32xf32, #tpu.memory_space<vmem_shared>> -> memref<10112x32xf32, #tpu.memory_space<vmem_shared>>
        tpu.wait_indirect_dma semaphore(%run_scoped3A_123 : memref<!tpu.dma_semaphore, #tpu.memory_space<semaphore_mem>>) src(%dma_wait3A_137 : memref<128x32xf32, #tpu.memory_space<vmem>>) dst(%dma_wait3A_143 : memref<10112x32xf32, #tpu.memory_space<vmem_shared>>)
        tpu.yield
      }) : () -> ()
      "tpu.region"() ({
        %run_scoped3A_123 = tpu.sem_alloc : memref<!tpu.dma_semaphore, #tpu.memory_space<semaphore_mem>>
        %dma_start3A_124 = arith.constant 0 : i32
        %dma_start3A_125 = tpu.memref_slice %arg8[%add3A_104, %dma_start3A_124] : memref<80x128xi32, #tpu.memory_space<vmem>> -> memref<1x128xi32, #tpu.memory_space<vmem>>
        %dma_start3A_126 = tpu.memref_squeeze %dma_start3A_125 : memref<1x128xi32, #tpu.memory_space<vmem>> -> memref<128xi32, #tpu.memory_space<vmem>>
        %dma_start3A_127 = arith.constant 0 : i32
        %dma_start3A_128 = arith.constant 0 : i32
        %dma_start3A_129 = tpu.memref_slice %arg16[%dma_start3A_127, %dma_start3A_128] : memref<10112x16xf32, #tpu.memory_space<vmem_shared>> -> memref<10112x16xf32, #tpu.memory_space<vmem_shared>>
        tpu.enqueue_indirect_dma source(%arg14 : memref<128x16xf32, #tpu.memory_space<vmem>>) target(%dma_start3A_129 : memref<10112x16xf32, #tpu.memory_space<vmem_shared>>) offsets(%dma_start3A_126 : memref<128xi32, #tpu.memory_space<vmem>>) semaphore(%run_scoped3A_123 : memref<!tpu.dma_semaphore, #tpu.memory_space<semaphore_mem>>) {add = true}
        %dma_wait3A_130 = arith.constant 0 : i32
        %dma_wait3A_131 = tpu.memref_slice %arg8[%add3A_104, %dma_wait3A_130] : memref<80x128xi32, #tpu.memory_space<vmem>> -> memref<1x128xi32, #tpu.memory_space<vmem>>
        %dma_wait3A_132 = tpu.memref_squeeze %dma_wait3A_131 : memref<1x128xi32, #tpu.memory_space<vmem>> -> memref<128xi32, #tpu.memory_space<vmem>>
        %dma_wait3A_133 = arith.constant 0 : i32
        %dma_wait3A_134 = arith.constant 0 : i32
        %dma_wait3A_135 = tpu.memref_slice %arg16[%dma_wait3A_133, %dma_wait3A_134] : memref<10112x16xf32, #tpu.memory_space<vmem_shared>> -> memref<10112x16xf32, #tpu.memory_space<vmem_shared>>
        tpu.wait_indirect_dma semaphore(%run_scoped3A_123 : memref<!tpu.dma_semaphore, #tpu.memory_space<semaphore_mem>>) src(%arg14 : memref<128x16xf32, #tpu.memory_space<vmem>>) dst(%dma_wait3A_135 : memref<10112x16xf32, #tpu.memory_space<vmem_shared>>)
        tpu.yield
      }) : () -> ()
      %add3A_117 = arith.constant 2 : i32
      %add3A_118 = arith.addi %add3A_104, %add3A_117 : i32
      %lt3A_119 = arith.cmpi slt, %add3A_118, %select_n3A_8 : i32
      %convert_element_type3A_120 = arith.extui %lt3A_119 : i1 to i32
      %cond3A_121 = arith.constant 0 : i32
      %cond3A_122 = arith.cmpi ne, %convert_element_type3A_120, %cond3A_121 : i32
      scf.if %cond3A_122 {
        %add3A_123 = arith.constant 2 : i32
        %add3A_124 = arith.addi %add3A_104, %add3A_123 : i32
        %dma_start3A_125 = arith.constant 1 : i32
        %dma_start3A_126 = arith.constant 0 : i32
        %dma_start3A_127 = arith.constant 0 : i32
        %dma_start3A_128 = tpu.memref_slice %arg9[%dma_start3A_125, %dma_start3A_126, %dma_start3A_127] : memref<2x128x32xf32, #tpu.memory_space<vmem>> -> memref<1x128x32xf32, #tpu.memory_space<vmem>>
        %dma_start3A_129 = tpu.memref_squeeze %dma_start3A_128 : memref<1x128x32xf32, #tpu.memory_space<vmem>> -> memref<128x32xf32, #tpu.memory_space<vmem>>
        %dma_start3A_130 = arith.constant 0 : i32
        %dma_start3A_131 = tpu.memref_slice %arg7[%add3A_124, %dma_start3A_130] : memref<80x128xi32, #tpu.memory_space<vmem>> -> memref<1x128xi32, #tpu.memory_space<vmem>>
        %dma_start3A_132 = tpu.memref_squeeze %dma_start3A_131 : memref<1x128xi32, #tpu.memory_space<vmem>> -> memref<128xi32, #tpu.memory_space<vmem>>
        %dma_start3A_133 = arith.constant 0 : i32
        %dma_start3A_134 = arith.constant 0 : i32
        %dma_start3A_135 = tpu.memref_slice %arg2[%dma_start3A_133, %dma_start3A_134] : memref<10000x32xf32, #tpu.memory_space<hbm>> -> memref<10000x32xf32, #tpu.memory_space<hbm>>
        tpu.enqueue_indirect_dma source(%dma_start3A_135 : memref<10000x32xf32, #tpu.memory_space<hbm>>) target(%dma_start3A_129 : memref<128x32xf32, #tpu.memory_space<vmem>>) offsets(%dma_start3A_132 : memref<128xi32, #tpu.memory_space<vmem>>) semaphore(%arg13 : memref<!tpu.dma_semaphore, #tpu.memory_space<semaphore_mem>>)
      } else {
      }
    }
    %while3A_73 = arith.constant 1 : i32
    scf.for %while3A_83 = %while3A_71 to %while3A_67 step %while3A_73  : i32 {
      %mul3A_84 = arith.constant 2 : i32
      %mul3A_85 = arith.muli %mul3A_84, %while3A_83 : i32
      %add3A_86 = arith.constant 0 : i32
      %add3A_87 = arith.addi %mul3A_85, %add3A_86 : i32
      %dma_wait3A = arith.constant 0 : i32
      %dma_wait3A_88 = arith.constant 0 : i32
      %dma_wait3A_89 = arith.constant 0 : i32
      %dma_wait3A_90 = tpu.memref_slice %arg9[%dma_wait3A, %dma_wait3A_88, %dma_wait3A_89] : memref<2x128x32xf32, #tpu.memory_space<vmem>> -> memref<1x128x32xf32, #tpu.memory_space<vmem>>
      %dma_wait3A_91 = tpu.memref_squeeze %dma_wait3A_90 : memref<1x128x32xf32, #tpu.memory_space<vmem>> -> memref<128x32xf32, #tpu.memory_space<vmem>>
      %dma_wait3A_92 = arith.constant 0 : i32
      %dma_wait3A_93 = tpu.memref_slice %arg7[%add3A_87, %dma_wait3A_92] : memref<80x128xi32, #tpu.memory_space<vmem>> -> memref<1x128xi32, #tpu.memory_space<vmem>>
      %dma_wait3A_94 = tpu.memref_squeeze %dma_wait3A_93 : memref<1x128xi32, #tpu.memory_space<vmem>> -> memref<128xi32, #tpu.memory_space<vmem>>
      %dma_wait3A_95 = arith.constant 0 : i32
      %dma_wait3A_96 = arith.constant 0 : i32
      %dma_wait3A_97 = tpu.memref_slice %arg2[%dma_wait3A_95, %dma_wait3A_96] : memref<10000x32xf32, #tpu.memory_space<hbm>> -> memref<10000x32xf32, #tpu.memory_space<hbm>>
      tpu.wait_indirect_dma semaphore(%arg12 : memref<!tpu.dma_semaphore, #tpu.memory_space<semaphore_mem>>) src(%dma_wait3A_97 : memref<10000x32xf32, #tpu.memory_space<hbm>>) dst(%dma_wait3A_91 : memref<128x32xf32, #tpu.memory_space<vmem>>)
      %run_scoped3A = arith.constant 0 : i32
      "tpu.region"() ({
        %run_scoped3A_123 = tpu.sem_alloc : memref<!tpu.dma_semaphore, #tpu.memory_space<semaphore_mem>>
        %dma_start3A_124 = arith.constant 0 : i32
        %dma_start3A_125 = arith.constant 0 : i32
        %dma_start3A_126 = tpu.memref_slice %arg9[%run_scoped3A, %dma_start3A_124, %dma_start3A_125] : memref<2x128x32xf32, #tpu.memory_space<vmem>> -> memref<1x128x32xf32, #tpu.memory_space<vmem>>
        %dma_start3A_127 = tpu.memref_squeeze %dma_start3A_126 : memref<1x128x32xf32, #tpu.memory_space<vmem>> -> memref<128x32xf32, #tpu.memory_space<vmem>>
        %dma_start3A_128 = arith.constant 0 : i32
        %dma_start3A_129 = tpu.memref_slice %arg8[%add3A_87, %dma_start3A_128] : memref<80x128xi32, #tpu.memory_space<vmem>> -> memref<1x128xi32, #tpu.memory_space<vmem>>
        %dma_start3A_130 = tpu.memref_squeeze %dma_start3A_129 : memref<1x128xi32, #tpu.memory_space<vmem>> -> memref<128xi32, #tpu.memory_space<vmem>>
        %dma_start3A_131 = arith.constant 0 : i32
        %dma_start3A_132 = arith.constant 0 : i32
        %dma_start3A_133 = tpu.memref_slice %arg11[%dma_start3A_131, %dma_start3A_132] : memref<10112x32xf32, #tpu.memory_space<vmem_shared>> -> memref<10112x32xf32, #tpu.memory_space<vmem_shared>>
        tpu.enqueue_indirect_dma source(%dma_start3A_127 : memref<128x32xf32, #tpu.memory_space<vmem>>) target(%dma_start3A_133 : memref<10112x32xf32, #tpu.memory_space<vmem_shared>>) offsets(%dma_start3A_130 : memref<128xi32, #tpu.memory_space<vmem>>) semaphore(%run_scoped3A_123 : memref<!tpu.dma_semaphore, #tpu.memory_space<semaphore_mem>>) {add = true}
        %dma_wait3A_134 = arith.constant 0 : i32
        %dma_wait3A_135 = arith.constant 0 : i32
        %dma_wait3A_136 = tpu.memref_slice %arg9[%run_scoped3A, %dma_wait3A_134, %dma_wait3A_135] : memref<2x128x32xf32, #tpu.memory_space<vmem>> -> memref<1x128x32xf32, #tpu.memory_space<vmem>>
        %dma_wait3A_137 = tpu.memref_squeeze %dma_wait3A_136 : memref<1x128x32xf32, #tpu.memory_space<vmem>> -> memref<128x32xf32, #tpu.memory_space<vmem>>
        %dma_wait3A_138 = arith.constant 0 : i32
        %dma_wait3A_139 = tpu.memref_slice %arg8[%add3A_87, %dma_wait3A_138] : memref<80x128xi32, #tpu.memory_space<vmem>> -> memref<1x128xi32, #tpu.memory_space<vmem>>
        %dma_wait3A_140 = tpu.memref_squeeze %dma_wait3A_139 : memref<1x128xi32, #tpu.memory_space<vmem>> -> memref<128xi32, #tpu.memory_space<vmem>>
        %dma_wait3A_141 = arith.constant 0 : i32
        %dma_wait3A_142 = arith.constant 0 : i32
        %dma_wait3A_143 = tpu.memref_slice %arg11[%dma_wait3A_141, %dma_wait3A_142] : memref<10112x32xf32, #tpu.memory_space<vmem_shared>> -> memref<10112x32xf32, #tpu.memory_space<vmem_shared>>
        tpu.wait_indirect_dma semaphore(%run_scoped3A_123 : memref<!tpu.dma_semaphore, #tpu.memory_space<semaphore_mem>>) src(%dma_wait3A_137 : memref<128x32xf32, #tpu.memory_space<vmem>>) dst(%dma_wait3A_143 : memref<10112x32xf32, #tpu.memory_space<vmem_shared>>)
        tpu.yield
      }) : () -> ()
      "tpu.region"() ({
        %run_scoped3A_123 = tpu.sem_alloc : memref<!tpu.dma_semaphore, #tpu.memory_space<semaphore_mem>>
        %dma_start3A_124 = arith.constant 0 : i32
        %dma_start3A_125 = tpu.memref_slice %arg8[%add3A_87, %dma_start3A_124] : memref<80x128xi32, #tpu.memory_space<vmem>> -> memref<1x128xi32, #tpu.memory_space<vmem>>
        %dma_start3A_126 = tpu.memref_squeeze %dma_start3A_125 : memref<1x128xi32, #tpu.memory_space<vmem>> -> memref<128xi32, #tpu.memory_space<vmem>>
        %dma_start3A_127 = arith.constant 0 : i32
        %dma_start3A_128 = arith.constant 0 : i32
        %dma_start3A_129 = tpu.memref_slice %arg16[%dma_start3A_127, %dma_start3A_128] : memref<10112x16xf32, #tpu.memory_space<vmem_shared>> -> memref<10112x16xf32, #tpu.memory_space<vmem_shared>>
        tpu.enqueue_indirect_dma source(%arg14 : memref<128x16xf32, #tpu.memory_space<vmem>>) target(%dma_start3A_129 : memref<10112x16xf32, #tpu.memory_space<vmem_shared>>) offsets(%dma_start3A_126 : memref<128xi32, #tpu.memory_space<vmem>>) semaphore(%run_scoped3A_123 : memref<!tpu.dma_semaphore, #tpu.memory_space<semaphore_mem>>) {add = true}
        %dma_wait3A_130 = arith.constant 0 : i32
        %dma_wait3A_131 = tpu.memref_slice %arg8[%add3A_87, %dma_wait3A_130] : memref<80x128xi32, #tpu.memory_space<vmem>> -> memref<1x128xi32, #tpu.memory_space<vmem>>
        %dma_wait3A_132 = tpu.memref_squeeze %dma_wait3A_131 : memref<1x128xi32, #tpu.memory_space<vmem>> -> memref<128xi32, #tpu.memory_space<vmem>>
        %dma_wait3A_133 = arith.constant 0 : i32
        %dma_wait3A_134 = arith.constant 0 : i32
        %dma_wait3A_135 = tpu.memref_slice %arg16[%dma_wait3A_133, %dma_wait3A_134] : memref<10112x16xf32, #tpu.memory_space<vmem_shared>> -> memref<10112x16xf32, #tpu.memory_space<vmem_shared>>
        tpu.wait_indirect_dma semaphore(%run_scoped3A_123 : memref<!tpu.dma_semaphore, #tpu.memory_space<semaphore_mem>>) src(%arg14 : memref<128x16xf32, #tpu.memory_space<vmem>>) dst(%dma_wait3A_135 : memref<10112x16xf32, #tpu.memory_space<vmem_shared>>)
        tpu.yield
      }) : () -> ()
      %add3A_98 = arith.constant 2 : i32
      %add3A_99 = arith.addi %add3A_87, %add3A_98 : i32
      %lt3A = arith.cmpi slt, %add3A_99, %select_n3A_8 : i32
      %convert_element_type3A = arith.extui %lt3A : i1 to i32
      %cond3A = arith.constant 0 : i32
      %cond3A_100 = arith.cmpi ne, %convert_element_type3A, %cond3A : i32
      scf.if %cond3A_100 {
        %add3A_123 = arith.constant 2 : i32
        %add3A_124 = arith.addi %add3A_87, %add3A_123 : i32
        %dma_start3A_125 = arith.constant 0 : i32
        %dma_start3A_126 = arith.constant 0 : i32
        %dma_start3A_127 = arith.constant 0 : i32
        %dma_start3A_128 = tpu.memref_slice %arg9[%dma_start3A_125, %dma_start3A_126, %dma_start3A_127] : memref<2x128x32xf32, #tpu.memory_space<vmem>> -> memref<1x128x32xf32, #tpu.memory_space<vmem>>
        %dma_start3A_129 = tpu.memref_squeeze %dma_start3A_128 : memref<1x128x32xf32, #tpu.memory_space<vmem>> -> memref<128x32xf32, #tpu.memory_space<vmem>>
        %dma_start3A_130 = arith.constant 0 : i32
        %dma_start3A_131 = tpu.memref_slice %arg7[%add3A_124, %dma_start3A_130] : memref<80x128xi32, #tpu.memory_space<vmem>> -> memref<1x128xi32, #tpu.memory_space<vmem>>
        %dma_start3A_132 = tpu.memref_squeeze %dma_start3A_131 : memref<1x128xi32, #tpu.memory_space<vmem>> -> memref<128xi32, #tpu.memory_space<vmem>>
        %dma_start3A_133 = arith.constant 0 : i32
        %dma_start3A_134 = arith.constant 0 : i32
        %dma_start3A_135 = tpu.memref_slice %arg2[%dma_start3A_133, %dma_start3A_134] : memref<10000x32xf32, #tpu.memory_space<hbm>> -> memref<10000x32xf32, #tpu.memory_space<hbm>>
        tpu.enqueue_indirect_dma source(%dma_start3A_135 : memref<10000x32xf32, #tpu.memory_space<hbm>>) target(%dma_start3A_129 : memref<128x32xf32, #tpu.memory_space<vmem>>) offsets(%dma_start3A_132 : memref<128xi32, #tpu.memory_space<vmem>>) semaphore(%arg12 : memref<!tpu.dma_semaphore, #tpu.memory_space<semaphore_mem>>)
      } else {
      }
      %mul3A_101 = arith.constant 2 : i32
      %mul3A_102 = arith.muli %mul3A_101, %while3A_83 : i32
      %add3A_103 = arith.constant 1 : i32
      %add3A_104 = arith.addi %mul3A_102, %add3A_103 : i32
      %dma_wait3A_105 = arith.constant 1 : i32
      %dma_wait3A_106 = arith.constant 0 : i32
      %dma_wait3A_107 = arith.constant 0 : i32
      %dma_wait3A_108 = tpu.memref_slice %arg9[%dma_wait3A_105, %dma_wait3A_106, %dma_wait3A_107] : memref<2x128x32xf32, #tpu.memory_space<vmem>> -> memref<1x128x32xf32, #tpu.memory_space<vmem>>
      %dma_wait3A_109 = tpu.memref_squeeze %dma_wait3A_108 : memref<1x128x32xf32, #tpu.memory_space<vmem>> -> memref<128x32xf32, #tpu.memory_space<vmem>>
      %dma_wait3A_110 = arith.constant 0 : i32
      %dma_wait3A_111 = tpu.memref_slice %arg7[%add3A_104, %dma_wait3A_110] : memref<80x128xi32, #tpu.memory_space<vmem>> -> memref<1x128xi32, #tpu.memory_space<vmem>>
      %dma_wait3A_112 = tpu.memref_squeeze %dma_wait3A_111 : memref<1x128xi32, #tpu.memory_space<vmem>> -> memref<128xi32, #tpu.memory_space<vmem>>
      %dma_wait3A_113 = arith.constant 0 : i32
      %dma_wait3A_114 = arith.constant 0 : i32
      %dma_wait3A_115 = tpu.memref_slice %arg2[%dma_wait3A_113, %dma_wait3A_114] : memref<10000x32xf32, #tpu.memory_space<hbm>> -> memref<10000x32xf32, #tpu.memory_space<hbm>>
      tpu.wait_indirect_dma semaphore(%arg13 : memref<!tpu.dma_semaphore, #tpu.memory_space<semaphore_mem>>) src(%dma_wait3A_115 : memref<10000x32xf32, #tpu.memory_space<hbm>>) dst(%dma_wait3A_109 : memref<128x32xf32, #tpu.memory_space<vmem>>)
      %run_scoped3A_116 = arith.constant 1 : i32
      "tpu.region"() ({
        %run_scoped3A_123 = tpu.sem_alloc : memref<!tpu.dma_semaphore, #tpu.memory_space<semaphore_mem>>
        %dma_start3A_124 = arith.constant 0 : i32
        %dma_start3A_125 = arith.constant 0 : i32
        %dma_start3A_126 = tpu.memref_slice %arg9[%run_scoped3A_116, %dma_start3A_124, %dma_start3A_125] : memref<2x128x32xf32, #tpu.memory_space<vmem>> -> memref<1x128x32xf32, #tpu.memory_space<vmem>>
        %dma_start3A_127 = tpu.memref_squeeze %dma_start3A_126 : memref<1x128x32xf32, #tpu.memory_space<vmem>> -> memref<128x32xf32, #tpu.memory_space<vmem>>
        %dma_start3A_128 = arith.constant 0 : i32
        %dma_start3A_129 = tpu.memref_slice %arg8[%add3A_104, %dma_start3A_128] : memref<80x128xi32, #tpu.memory_space<vmem>> -> memref<1x128xi32, #tpu.memory_space<vmem>>
        %dma_start3A_130 = tpu.memref_squeeze %dma_start3A_129 : memref<1x128xi32, #tpu.memory_space<vmem>> -> memref<128xi32, #tpu.memory_space<vmem>>
        %dma_start3A_131 = arith.constant 0 : i32
        %dma_start3A_132 = arith.constant 0 : i32
        %dma_start3A_133 = tpu.memref_slice %arg11[%dma_start3A_131, %dma_start3A_132] : memref<10112x32xf32, #tpu.memory_space<vmem_shared>> -> memref<10112x32xf32, #tpu.memory_space<vmem_shared>>
        tpu.enqueue_indirect_dma source(%dma_start3A_127 : memref<128x32xf32, #tpu.memory_space<vmem>>) target(%dma_start3A_133 : memref<10112x32xf32, #tpu.memory_space<vmem_shared>>) offsets(%dma_start3A_130 : memref<128xi32, #tpu.memory_space<vmem>>) semaphore(%run_scoped3A_123 : memref<!tpu.dma_semaphore, #tpu.memory_space<semaphore_mem>>) {add = true}
        %dma_wait3A_134 = arith.constant 0 : i32
        %dma_wait3A_135 = arith.constant 0 : i32
        %dma_wait3A_136 = tpu.memref_slice %arg9[%run_scoped3A_116, %dma_wait3A_134, %dma_wait3A_135] : memref<2x128x32xf32, #tpu.memory_space<vmem>> -> memref<1x128x32xf32, #tpu.memory_space<vmem>>
        %dma_wait3A_137 = tpu.memref_squeeze %dma_wait3A_136 : memref<1x128x32xf32, #tpu.memory_space<vmem>> -> memref<128x32xf32, #tpu.memory_space<vmem>>
        %dma_wait3A_138 = arith.constant 0 : i32
        %dma_wait3A_139 = tpu.memref_slice %arg8[%add3A_104, %dma_wait3A_138] : memref<80x128xi32, #tpu.memory_space<vmem>> -> memref<1x128xi32, #tpu.memory_space<vmem>>
        %dma_wait3A_140 = tpu.memref_squeeze %dma_wait3A_139 : memref<1x128xi32, #tpu.memory_space<vmem>> -> memref<128xi32, #tpu.memory_space<vmem>>
        %dma_wait3A_141 = arith.constant 0 : i32
        %dma_wait3A_142 = arith.constant 0 : i32
        %dma_wait3A_143 = tpu.memref_slice %arg11[%dma_wait3A_141, %dma_wait3A_142] : memref<10112x32xf32, #tpu.memory_space<vmem_shared>> -> memref<10112x32xf32, #tpu.memory_space<vmem_shared>>
        tpu.wait_indirect_dma semaphore(%run_scoped3A_123 : memref<!tpu.dma_semaphore, #tpu.memory_space<semaphore_mem>>) src(%dma_wait3A_137 : memref<128x32xf32, #tpu.memory_space<vmem>>) dst(%dma_wait3A_143 : memref<10112x32xf32, #tpu.memory_space<vmem_shared>>)
        tpu.yield
      }) : () -> ()
      "tpu.region"() ({
        %run_scoped3A_123 = tpu.sem_alloc : memref<!tpu.dma_semaphore, #tpu.memory_space<semaphore_mem>>
        %dma_start3A_124 = arith.constant 0 : i32
        %dma_start3A_125 = tpu.memref_slice %arg8[%add3A_104, %dma_start3A_124] : memref<80x128xi32, #tpu.memory_space<vmem>> -> memref<1x128xi32, #tpu.memory_space<vmem>>
        %dma_start3A_126 = tpu.memref_squeeze %dma_start3A_125 : memref<1x128xi32, #tpu.memory_space<vmem>> -> memref<128xi32, #tpu.memory_space<vmem>>
        %dma_start3A_127 = arith.constant 0 : i32
        %dma_start3A_128 = arith.constant 0 : i32
        %dma_start3A_129 = tpu.memref_slice %arg16[%dma_start3A_127, %dma_start3A_128] : memref<10112x16xf32, #tpu.memory_space<vmem_shared>> -> memref<10112x16xf32, #tpu.memory_space<vmem_shared>>
        tpu.enqueue_indirect_dma source(%arg14 : memref<128x16xf32, #tpu.memory_space<vmem>>) target(%dma_start3A_129 : memref<10112x16xf32, #tpu.memory_space<vmem_shared>>) offsets(%dma_start3A_126 : memref<128xi32, #tpu.memory_space<vmem>>) semaphore(%run_scoped3A_123 : memref<!tpu.dma_semaphore, #tpu.memory_space<semaphore_mem>>) {add = true}
        %dma_wait3A_130 = arith.constant 0 : i32
        %dma_wait3A_131 = tpu.memref_slice %arg8[%add3A_104, %dma_wait3A_130] : memref<80x128xi32, #tpu.memory_space<vmem>> -> memref<1x128xi32, #tpu.memory_space<vmem>>
        %dma_wait3A_132 = tpu.memref_squeeze %dma_wait3A_131 : memref<1x128xi32, #tpu.memory_space<vmem>> -> memref<128xi32, #tpu.memory_space<vmem>>
        %dma_wait3A_133 = arith.constant 0 : i32
        %dma_wait3A_134 = arith.constant 0 : i32
        %dma_wait3A_135 = tpu.memref_slice %arg16[%dma_wait3A_133, %dma_wait3A_134] : memref<10112x16xf32, #tpu.memory_space<vmem_shared>> -> memref<10112x16xf32, #tpu.memory_space<vmem_shared>>
        tpu.wait_indirect_dma semaphore(%run_scoped3A_123 : memref<!tpu.dma_semaphore, #tpu.memory_space<semaphore_mem>>) src(%arg14 : memref<128x16xf32, #tpu.memory_space<vmem>>) dst(%dma_wait3A_135 : memref<10112x16xf32, #tpu.memory_space<vmem_shared>>)
        tpu.yield
      }) : () -> ()
      %add3A_117 = arith.constant 2 : i32
      %add3A_118 = arith.addi %add3A_104, %add3A_117 : i32
      %lt3A_119 = arith.cmpi slt, %add3A_118, %select_n3A_8 : i32
      %convert_element_type3A_120 = arith.extui %lt3A_119 : i1 to i32
      %cond3A_121 = arith.constant 0 : i32
      %cond3A_122 = arith.cmpi ne, %convert_element_type3A_120, %cond3A_121 : i32
      scf.if %cond3A_122 {
        %add3A_123 = arith.constant 2 : i32
        %add3A_124 = arith.addi %add3A_104, %add3A_123 : i32
        %dma_start3A_125 = arith.constant 1 : i32
        %dma_start3A_126 = arith.constant 0 : i32
        %dma_start3A_127 = arith.constant 0 : i32
        %dma_start3A_128 = tpu.memref_slice %arg9[%dma_start3A_125, %dma_start3A_126, %dma_start3A_127] : memref<2x128x32xf32, #tpu.memory_space<vmem>> -> memref<1x128x32xf32, #tpu.memory_space<vmem>>
        %dma_start3A_129 = tpu.memref_squeeze %dma_start3A_128 : memref<1x128x32xf32, #tpu.memory_space<vmem>> -> memref<128x32xf32, #tpu.memory_space<vmem>>
        %dma_start3A_130 = arith.constant 0 : i32
        %dma_start3A_131 = tpu.memref_slice %arg7[%add3A_124, %dma_start3A_130] : memref<80x128xi32, #tpu.memory_space<vmem>> -> memref<1x128xi32, #tpu.memory_space<vmem>>
        %dma_start3A_132 = tpu.memref_squeeze %dma_start3A_131 : memref<1x128xi32, #tpu.memory_space<vmem>> -> memref<128xi32, #tpu.memory_space<vmem>>
        %dma_start3A_133 = arith.constant 0 : i32
        %dma_start3A_134 = arith.constant 0 : i32
        %dma_start3A_135 = tpu.memref_slice %arg2[%dma_start3A_133, %dma_start3A_134] : memref<10000x32xf32, #tpu.memory_space<hbm>> -> memref<10000x32xf32, #tpu.memory_space<hbm>>
        tpu.enqueue_indirect_dma source(%dma_start3A_135 : memref<10000x32xf32, #tpu.memory_space<hbm>>) target(%dma_start3A_129 : memref<128x32xf32, #tpu.memory_space<vmem>>) offsets(%dma_start3A_132 : memref<128xi32, #tpu.memory_space<vmem>>) semaphore(%arg13 : memref<!tpu.dma_semaphore, #tpu.memory_space<semaphore_mem>>)
      } else {
      }
    }
    %barrier3A_74 = arith.constant 0 : index
    tpu.barrier barrier_id(%barrier3A_74)
    "tpu.trace_stop"() : () -> ()
    "tpu.trace_start"() <{level = 10 : i32, message = "agg_flush"}> : () -> ()
    %mul3A_75 = arith.constant 632 : i32
    %mul3A_76 = arith.muli %arg1, %mul3A_75 : i32
    "tpu.region"() ({
      %run_scoped3A = tpu.sem_alloc : memref<!tpu.dma_semaphore, #tpu.memory_space<semaphore_mem>>
      %dma_start3A_83 = arith.constant 0 : i32
      %dma_start3A_84 = tpu.memref_slice %arg11[%mul3A_76, %dma_start3A_83] : memref<10112x32xf32, #tpu.memory_space<vmem_shared>> -> memref<632x32xf32, #tpu.memory_space<vmem_shared>>
      %dma_start3A_85 = arith.constant 0 : i32
      %dma_start3A_86 = tpu.memref_slice %arg11[%mul3A_76, %dma_start3A_85] : memref<10112x32xf32, #tpu.memory_space<vmem_shared>> -> memref<632x32xf32, #tpu.memory_space<vmem_shared>>
      tpu.enqueue_dma source(%dma_start3A_86 : memref<632x32xf32, #tpu.memory_space<vmem_shared>>) target(%arg10 : memref<632x32xf32, #tpu.memory_space<vmem>>) target_semaphore(%run_scoped3A : memref<!tpu.dma_semaphore, #tpu.memory_space<semaphore_mem>>)
      %dma_wait3A = arith.constant 0 : i32
      %dma_wait3A_87 = tpu.memref_slice %arg11[%mul3A_76, %dma_wait3A] : memref<10112x32xf32, #tpu.memory_space<vmem_shared>> -> memref<632x32xf32, #tpu.memory_space<vmem_shared>>
      %dma_wait3A_88 = arith.constant 0 : i32
      %dma_wait3A_89 = tpu.memref_slice %arg11[%mul3A_76, %dma_wait3A_88] : memref<10112x32xf32, #tpu.memory_space<vmem_shared>> -> memref<632x32xf32, #tpu.memory_space<vmem_shared>>
      tpu.wait_dma2 semaphore(%run_scoped3A : memref<!tpu.dma_semaphore, #tpu.memory_space<semaphore_mem>>) src(%dma_wait3A_89 : memref<632x32xf32, #tpu.memory_space<vmem_shared>>) dst(%arg10 : memref<632x32xf32, #tpu.memory_space<vmem>>)
      tpu.yield
    }) : () -> ()
    %mul3A_77 = arith.constant 632 : i32
    %mul3A_78 = arith.muli %arg1, %mul3A_77 : i32
    "tpu.region"() ({
      %run_scoped3A = tpu.sem_alloc : memref<!tpu.dma_semaphore, #tpu.memory_space<semaphore_mem>>
      %dma_start3A_83 = arith.constant 0 : i32
      %dma_start3A_84 = tpu.memref_slice %arg5[%arg0, %mul3A_78, %dma_start3A_83] : memref<2x10112x32xf32, #tpu.memory_space<hbm>> -> memref<1x632x32xf32, #tpu.memory_space<hbm>>
      %dma_start3A_85 = tpu.memref_squeeze %dma_start3A_84 : memref<1x632x32xf32, #tpu.memory_space<hbm>> -> memref<632x32xf32, #tpu.memory_space<hbm>>
      %dma_start3A_86 = arith.constant 0 : i32
      %dma_start3A_87 = tpu.memref_slice %arg5[%arg0, %mul3A_78, %dma_start3A_86] : memref<2x10112x32xf32, #tpu.memory_space<hbm>> -> memref<1x632x32xf32, #tpu.memory_space<hbm>>
      %dma_start3A_88 = tpu.memref_squeeze %dma_start3A_87 : memref<1x632x32xf32, #tpu.memory_space<hbm>> -> memref<632x32xf32, #tpu.memory_space<hbm>>
      tpu.enqueue_dma source(%arg10 : memref<632x32xf32, #tpu.memory_space<vmem>>) target(%dma_start3A_88 : memref<632x32xf32, #tpu.memory_space<hbm>>) target_semaphore(%run_scoped3A : memref<!tpu.dma_semaphore, #tpu.memory_space<semaphore_mem>>)
      %dma_wait3A = arith.constant 0 : i32
      %dma_wait3A_89 = tpu.memref_slice %arg5[%arg0, %mul3A_78, %dma_wait3A] : memref<2x10112x32xf32, #tpu.memory_space<hbm>> -> memref<1x632x32xf32, #tpu.memory_space<hbm>>
      %dma_wait3A_90 = tpu.memref_squeeze %dma_wait3A_89 : memref<1x632x32xf32, #tpu.memory_space<hbm>> -> memref<632x32xf32, #tpu.memory_space<hbm>>
      %dma_wait3A_91 = arith.constant 0 : i32
      %dma_wait3A_92 = tpu.memref_slice %arg5[%arg0, %mul3A_78, %dma_wait3A_91] : memref<2x10112x32xf32, #tpu.memory_space<hbm>> -> memref<1x632x32xf32, #tpu.memory_space<hbm>>
      %dma_wait3A_93 = tpu.memref_squeeze %dma_wait3A_92 : memref<1x632x32xf32, #tpu.memory_space<hbm>> -> memref<632x32xf32, #tpu.memory_space<hbm>>
      tpu.wait_dma2 semaphore(%run_scoped3A : memref<!tpu.dma_semaphore, #tpu.memory_space<semaphore_mem>>) src(%arg10 : memref<632x32xf32, #tpu.memory_space<vmem>>) dst(%dma_wait3A_93 : memref<632x32xf32, #tpu.memory_space<hbm>>)
      tpu.yield
    }) : () -> ()
    %mul3A_79 = arith.constant 632 : i32
    %mul3A_80 = arith.muli %arg1, %mul3A_79 : i32
    "tpu.region"() ({
      %run_scoped3A = tpu.sem_alloc : memref<!tpu.dma_semaphore, #tpu.memory_space<semaphore_mem>>
      %dma_start3A_83 = arith.constant 0 : i32
      %dma_start3A_84 = tpu.memref_slice %arg16[%mul3A_80, %dma_start3A_83] : memref<10112x16xf32, #tpu.memory_space<vmem_shared>> -> memref<632x16xf32, #tpu.memory_space<vmem_shared>>
      %dma_start3A_85 = arith.constant 0 : i32
      %dma_start3A_86 = tpu.memref_slice %arg16[%mul3A_80, %dma_start3A_85] : memref<10112x16xf32, #tpu.memory_space<vmem_shared>> -> memref<632x16xf32, #tpu.memory_space<vmem_shared>>
      tpu.enqueue_dma source(%dma_start3A_86 : memref<632x16xf32, #tpu.memory_space<vmem_shared>>) target(%arg15 : memref<632x16xf32, #tpu.memory_space<vmem>>) target_semaphore(%run_scoped3A : memref<!tpu.dma_semaphore, #tpu.memory_space<semaphore_mem>>)
      %dma_wait3A = arith.constant 0 : i32
      %dma_wait3A_87 = tpu.memref_slice %arg16[%mul3A_80, %dma_wait3A] : memref<10112x16xf32, #tpu.memory_space<vmem_shared>> -> memref<632x16xf32, #tpu.memory_space<vmem_shared>>
      %dma_wait3A_88 = arith.constant 0 : i32
      %dma_wait3A_89 = tpu.memref_slice %arg16[%mul3A_80, %dma_wait3A_88] : memref<10112x16xf32, #tpu.memory_space<vmem_shared>> -> memref<632x16xf32, #tpu.memory_space<vmem_shared>>
      tpu.wait_dma2 semaphore(%run_scoped3A : memref<!tpu.dma_semaphore, #tpu.memory_space<semaphore_mem>>) src(%dma_wait3A_89 : memref<632x16xf32, #tpu.memory_space<vmem_shared>>) dst(%arg15 : memref<632x16xf32, #tpu.memory_space<vmem>>)
      tpu.yield
    }) : () -> ()
    %mul3A_81 = arith.constant 632 : i32
    %mul3A_82 = arith.muli %arg1, %mul3A_81 : i32
    "tpu.region"() ({
      %run_scoped3A = tpu.sem_alloc : memref<!tpu.dma_semaphore, #tpu.memory_space<semaphore_mem>>
      %dma_start3A_83 = arith.constant 0 : i32
      %dma_start3A_84 = tpu.memref_slice %arg6[%arg0, %mul3A_82, %dma_start3A_83] : memref<2x10112x16xf32, #tpu.memory_space<hbm>> -> memref<1x632x16xf32, #tpu.memory_space<hbm>>
      %dma_start3A_85 = tpu.memref_squeeze %dma_start3A_84 : memref<1x632x16xf32, #tpu.memory_space<hbm>> -> memref<632x16xf32, #tpu.memory_space<hbm>>
      %dma_start3A_86 = arith.constant 0 : i32
      %dma_start3A_87 = tpu.memref_slice %arg6[%arg0, %mul3A_82, %dma_start3A_86] : memref<2x10112x16xf32, #tpu.memory_space<hbm>> -> memref<1x632x16xf32, #tpu.memory_space<hbm>>
      %dma_start3A_88 = tpu.memref_squeeze %dma_start3A_87 : memref<1x632x16xf32, #tpu.memory_space<hbm>> -> memref<632x16xf32, #tpu.memory_space<hbm>>
      tpu.enqueue_dma source(%arg15 : memref<632x16xf32, #tpu.memory_space<vmem>>) target(%dma_start3A_88 : memref<632x16xf32, #tpu.memory_space<hbm>>) target_semaphore(%run_scoped3A : memref<!tpu.dma_semaphore, #tpu.memory_space<semaphore_mem>>)
      %dma_wait3A = arith.constant 0 : i32
      %dma_wait3A_89 = tpu.memref_slice %arg6[%arg0, %mul3A_82, %dma_wait3A] : memref<2x10112x16xf32, #tpu.memory_space<hbm>> -> memref<1x632x16xf32, #tpu.memory_space<hbm>>
      %dma_wait3A_90 = tpu.memref_squeeze %dma_wait3A_89 : memref<1x632x16xf32, #tpu.memory_space<hbm>> -> memref<632x16xf32, #tpu.memory_space<hbm>>
      %dma_wait3A_91 = arith.constant 0 : i32
      %dma_wait3A_92 = tpu.memref_slice %arg6[%arg0, %mul3A_82, %dma_wait3A_91] : memref<2x10112x16xf32, #tpu.memory_space<hbm>> -> memref<1x632x16xf32, #tpu.memory_space<hbm>>
      %dma_wait3A_93 = tpu.memref_squeeze %dma_wait3A_92 : memref<1x632x16xf32, #tpu.memory_space<hbm>> -> memref<632x16xf32, #tpu.memory_space<hbm>>
      tpu.wait_dma2 semaphore(%run_scoped3A : memref<!tpu.dma_semaphore, #tpu.memory_space<semaphore_mem>>) src(%arg15 : memref<632x16xf32, #tpu.memory_space<vmem>>) dst(%dma_wait3A_93 : memref<632x16xf32, #tpu.memory_space<hbm>>)
      tpu.yield
    }) : () -> ()
    "tpu.trace_stop"() : () -> ()
    return
  }
}

module attributes {stable_mosaic.version = 14 : i64} {
  func.func @body(%arg0: i32, %arg1: memref<1000x128xf32, #tpu.memory_space<vmem>>, %arg2: memref<128x32xf32, #tpu.memory_space<vmem>>, %arg3: memref<128x32xf32, #tpu.memory_space<vmem>>, %arg4: memref<1x32xf32, #tpu.memory_space<vmem>>, %arg5: memref<1000x32xf32, #tpu.memory_space<vmem>>, %arg6: memref<1000x32xf32, #tpu.memory_space<vmem>>) attributes {dimension_semantics = [#tpu.dimension_semantics<arbitrary>], iteration_bounds = array<i64: 10>, scalar_prefetch = 0 : i64, scratch_operands = 0 : i64, tpu.core_type = #tpu.core_type<tc>, window_params = [{transform_indices = @transform_0, window_bounds = array<i64: 1000, 128>}, {pipeline_mode = #tpu.pipeline_mode<synchronous>, transform_indices = @transform_1, window_bounds = array<i64: 128, 32>}, {pipeline_mode = #tpu.pipeline_mode<synchronous>, transform_indices = @transform_2, window_bounds = array<i64: 128, 32>}, {pipeline_mode = #tpu.pipeline_mode<synchronous>, transform_indices = @transform_3, window_bounds = array<i64: 1, 32>}, {transform_indices = @transform_4, window_bounds = array<i64: 1000, 32>}, {transform_indices = @transform_5, window_bounds = array<i64: 1000, 32>}]} {
    %get3A = arith.constant 0 : index
    %get3A_0 = arith.constant 0 : index
    %get3A_1 = vector.load %arg1[%get3A, %get3A_0] : memref<1000x128xf32, #tpu.memory_space<vmem>>, vector<1000x128xf32>
    %get3A_2 = arith.constant 0 : index
    %get3A_3 = arith.constant 0 : index
    %get3A_4 = vector.load %arg2[%get3A_2, %get3A_3] : memref<128x32xf32, #tpu.memory_space<vmem>>, vector<128x32xf32>
    %dot_general3A = arith.constant dense<0.000000e+00> : vector<1000x32xf32>
    %dot_general3A_5 = tpu.matmul %get3A_1, %get3A_4, %dot_general3A {dimension_numbers = #tpu.dot_dimension_numbers<[1], [0], [0], [1], [0, 0, 1, 1], [], []>, transpose_lhs_hint = false} : vector<1000x128xf32>, vector<128x32xf32>, vector<1000x32xf32> -> vector<1000x32xf32>
    %swap3A = arith.constant 0 : index
    %swap3A_6 = arith.constant 0 : index
    %swap3A_7 = vector.load %arg5[%swap3A, %swap3A_6] : memref<1000x32xf32, #tpu.memory_space<vmem>>, vector<1000x32xf32>
    tpu.vector_store %arg5[%swap3A, %swap3A_6], %dot_general3A_5 {strides = array<i32>} : memref<1000x32xf32, #tpu.memory_space<vmem>>, vector<1000x32xf32>,
    %get3A_8 = arith.constant 0 : index
    %get3A_9 = arith.constant 0 : index
    %get3A_10 = vector.load %arg3[%get3A_8, %get3A_9] : memref<128x32xf32, #tpu.memory_space<vmem>>, vector<128x32xf32>
    %dot_general3A_11 = arith.constant dense<0.000000e+00> : vector<1000x32xf32>
    %dot_general3A_12 = tpu.matmul %get3A_1, %get3A_10, %dot_general3A_11 {dimension_numbers = #tpu.dot_dimension_numbers<[1], [0], [0], [1], [0, 0, 1, 1], [], []>, transpose_lhs_hint = false} : vector<1000x128xf32>, vector<128x32xf32>, vector<1000x32xf32> -> vector<1000x32xf32>
    %get3A_13 = arith.constant 0 : index
    %get3A_14 = arith.constant 0 : index
    %get3A_15 = vector.load %arg4[%get3A_13, %get3A_14] : memref<1x32xf32, #tpu.memory_space<vmem>>, vector<1x32xf32>
    %add3A = vector.broadcast %get3A_15 : vector<1x32xf32> to vector<1000x32xf32>
    %add3A_16 = arith.addf %dot_general3A_12, %add3A : vector<1000x32xf32>
    %swap3A_17 = arith.constant 0 : index
    %swap3A_18 = arith.constant 0 : index
    %swap3A_19 = vector.load %arg6[%swap3A_17, %swap3A_18] : memref<1000x32xf32, #tpu.memory_space<vmem>>, vector<1000x32xf32>
    tpu.vector_store %arg6[%swap3A_17, %swap3A_18], %add3A_16 {strides = array<i32>} : memref<1000x32xf32, #tpu.memory_space<vmem>>, vector<1000x32xf32>,
    return
  }
  func.func @transform_0(%arg0: i32) -> (i32, i32) {
    %c0_i32 = arith.constant 0 : i32
    %c0_i32_0 = arith.constant 0 : i32
    return %arg0, %c0_i32 : i32, i32
  }
  func.func @transform_1(%arg0: i32) -> (i32, i32) {
    %c0_i32 = arith.constant 0 : i32
    %c0_i32_0 = arith.constant 0 : i32
    %c0_i32_1 = arith.constant 0 : i32
    return %c0_i32, %c0_i32_0 : i32, i32
  }
  func.func @transform_2(%arg0: i32) -> (i32, i32) {
    %c0_i32 = arith.constant 0 : i32
    %c0_i32_0 = arith.constant 0 : i32
    %c0_i32_1 = arith.constant 0 : i32
    return %c0_i32, %c0_i32_0 : i32, i32
  }
  func.func @transform_3(%arg0: i32) -> (i32, i32) {
    %c0_i32 = arith.constant 0 : i32
    %c0_i32_0 = arith.constant 0 : i32
    %c0_i32_1 = arith.constant 0 : i32
    return %c0_i32, %c0_i32_0 : i32, i32
  }
  func.func @transform_4(%arg0: i32) -> (i32, i32) {
    %c0_i32 = arith.constant 0 : i32
    %c0_i32_0 = arith.constant 0 : i32
    return %arg0, %c0_i32 : i32, i32
  }
  func.func @transform_5(%arg0: i32) -> (i32, i32) {
    %c0_i32 = arith.constant 0 : i32
    %c0_i32_0 = arith.constant 0 : i32
    return %arg0, %c0_i32 : i32, i32
  }
}

module attributes {stable_mosaic.version = 14 : i64} {
  func.func @body(%arg0: i32, %arg1: memref<2x1000x32xf32, #tpu.memory_space<vmem>>, %arg2: memref<2x1000x16xf32, #tpu.memory_space<vmem>>, %arg3: memref<1000x32xf32, #tpu.memory_space<vmem>>, %arg4: memref<32x16xf32, #tpu.memory_space<vmem>>, %arg5: memref<32x16xf32, #tpu.memory_space<vmem>>, %arg6: memref<1x16xf32, #tpu.memory_space<vmem>>, %arg7: memref<1000x16xf32, #tpu.memory_space<vmem>>, %arg8: memref<1000x16xf32, #tpu.memory_space<vmem>>, %arg9: memref<1000x16xf32, #tpu.memory_space<vmem>>) attributes {dimension_semantics = [#tpu.dimension_semantics<arbitrary>], iteration_bounds = array<i64: 10>, scalar_prefetch = 0 : i64, scratch_operands = 0 : i64, tpu.core_type = #tpu.core_type<tc>, window_params = [{transform_indices = @transform_0, window_bounds = array<i64: 2, 1000, 32>}, {transform_indices = @transform_1, window_bounds = array<i64: 2, 1000, 16>}, {transform_indices = @transform_2, window_bounds = array<i64: 1000, 32>}, {pipeline_mode = #tpu.pipeline_mode<synchronous>, transform_indices = @transform_3, window_bounds = array<i64: 32, 16>}, {pipeline_mode = #tpu.pipeline_mode<synchronous>, transform_indices = @transform_4, window_bounds = array<i64: 32, 16>}, {pipeline_mode = #tpu.pipeline_mode<synchronous>, transform_indices = @transform_5, window_bounds = array<i64: 1, 16>}, {transform_indices = @transform_6, window_bounds = array<i64: 1000, 16>}, {transform_indices = @transform_7, window_bounds = array<i64: 1000, 16>}, {transform_indices = @transform_8, window_bounds = array<i64: 1000, 16>}]} {
    %get3A = arith.constant 0 : index
    %get3A_0 = arith.constant 0 : index
    %get3A_1 = arith.constant 0 : index
    %get3A_2 = vector.load %arg1[%get3A, %get3A_0, %get3A_1] : memref<2x1000x32xf32, #tpu.memory_space<vmem>>, vector<1x1000x32xf32>
    %get3A_3 = vector.shape_cast %get3A_2 : vector<1x1000x32xf32> to vector<1000x32xf32>
    %get3A_4 = arith.constant 1 : index
    %get3A_5 = arith.constant 0 : index
    %get3A_6 = arith.constant 0 : index
    %get3A_7 = vector.load %arg1[%get3A_4, %get3A_5, %get3A_6] : memref<2x1000x32xf32, #tpu.memory_space<vmem>>, vector<1x1000x32xf32>
    %get3A_8 = vector.shape_cast %get3A_7 : vector<1x1000x32xf32> to vector<1000x32xf32>
    %add3A = arith.addf %get3A_3, %get3A_8 : vector<1000x32xf32>
    %get3A_9 = arith.constant 0 : index
    %get3A_10 = arith.constant 0 : index
    %get3A_11 = arith.constant 0 : index
    %get3A_12 = vector.load %arg2[%get3A_9, %get3A_10, %get3A_11] : memref<2x1000x16xf32, #tpu.memory_space<vmem>>, vector<1x1000x16xf32>
    %get3A_13 = vector.shape_cast %get3A_12 : vector<1x1000x16xf32> to vector<1000x16xf32>
    %get3A_14 = arith.constant 1 : index
    %get3A_15 = arith.constant 0 : index
    %get3A_16 = arith.constant 0 : index
    %get3A_17 = vector.load %arg2[%get3A_14, %get3A_15, %get3A_16] : memref<2x1000x16xf32, #tpu.memory_space<vmem>>, vector<1x1000x16xf32>
    %get3A_18 = vector.shape_cast %get3A_17 : vector<1x1000x16xf32> to vector<1000x16xf32>
    %add3A_19 = arith.addf %get3A_13, %get3A_18 : vector<1000x16xf32>
    %reduce_max3A = arith.constant dense<0xFF800000> : vector<1000xf32>
    %reduce_max3A_20 = vector.multi_reduction <maximumf>, %add3A_19, %reduce_max3A [1] : vector<1000x16xf32> to vector<1000xf32>
    %broadcast_in_dim3A = vector.shape_cast %reduce_max3A_20 : vector<1000xf32> to vector<1000x1xf32>
    %max3A = arith.constant 1.000000e+00 : f32
    %max3A_21 = vector.broadcast %max3A : f32 to vector<1000x1xf32>
    %max3A_22 = arith.maximumf %broadcast_in_dim3A, %max3A_21 : vector<1000x1xf32>
    %div3A = arith.constant 1.000000e+00 : f32
    %div3A_23 = vector.broadcast %div3A : f32 to vector<1000x1xf32>
    %div3A_24 = arith.divf %div3A_23, %max3A_22 : vector<1000x1xf32>
    %mul3A = vector.broadcast %div3A_24 : vector<1000x1xf32> to vector<1000x32xf32>
    %mul3A_25 = arith.mulf %add3A, %mul3A : vector<1000x32xf32>
    %get3A_26 = arith.constant 0 : index
    %get3A_27 = arith.constant 0 : index
    %get3A_28 = vector.load %arg3[%get3A_26, %get3A_27] : memref<1000x32xf32, #tpu.memory_space<vmem>>, vector<1000x32xf32>
    %add3A_29 = arith.addf %mul3A_25, %get3A_28 : vector<1000x32xf32>
    %max3A_30 = arith.constant 0.000000e+00 : f32
    %max3A_31 = vector.broadcast %max3A_30 : f32 to vector<1000x32xf32>
    %max3A_32 = arith.maximumf %add3A_29, %max3A_31 : vector<1000x32xf32>
    %get3A_33 = arith.constant 0 : index
    %get3A_34 = arith.constant 0 : index
    %get3A_35 = vector.load %arg4[%get3A_33, %get3A_34] : memref<32x16xf32, #tpu.memory_space<vmem>>, vector<32x16xf32>
    %dot_general3A = arith.constant dense<0.000000e+00> : vector<1000x16xf32>
    %dot_general3A_36 = tpu.matmul %max3A_32, %get3A_35, %dot_general3A {dimension_numbers = #tpu.dot_dimension_numbers<[1], [0], [0], [1], [0, 0, 1, 1], [], []>, transpose_lhs_hint = false} : vector<1000x32xf32>, vector<32x16xf32>, vector<1000x16xf32> -> vector<1000x16xf32>
    %swap3A = arith.constant 0 : index
    %swap3A_37 = arith.constant 0 : index
    %swap3A_38 = vector.load %arg7[%swap3A, %swap3A_37] : memref<1000x16xf32, #tpu.memory_space<vmem>>, vector<1000x16xf32>
    tpu.vector_store %arg7[%swap3A, %swap3A_37], %dot_general3A_36 {strides = array<i32>} : memref<1000x16xf32, #tpu.memory_space<vmem>>, vector<1000x16xf32>,
    %get3A_39 = arith.constant 0 : index
    %get3A_40 = arith.constant 0 : index
    %get3A_41 = vector.load %arg5[%get3A_39, %get3A_40] : memref<32x16xf32, #tpu.memory_space<vmem>>, vector<32x16xf32>
    %dot_general3A_42 = arith.constant dense<0.000000e+00> : vector<1000x16xf32>
    %dot_general3A_43 = tpu.matmul %max3A_32, %get3A_41, %dot_general3A_42 {dimension_numbers = #tpu.dot_dimension_numbers<[1], [0], [0], [1], [0, 0, 1, 1], [], []>, transpose_lhs_hint = false} : vector<1000x32xf32>, vector<32x16xf32>, vector<1000x16xf32> -> vector<1000x16xf32>
    %get3A_44 = arith.constant 0 : index
    %get3A_45 = arith.constant 0 : index
    %get3A_46 = vector.load %arg6[%get3A_44, %get3A_45] : memref<1x16xf32, #tpu.memory_space<vmem>>, vector<1x16xf32>
    %add3A_47 = vector.broadcast %get3A_46 : vector<1x16xf32> to vector<1000x16xf32>
    %add3A_48 = arith.addf %dot_general3A_43, %add3A_47 : vector<1000x16xf32>
    %swap3A_49 = arith.constant 0 : index
    %swap3A_50 = arith.constant 0 : index
    %swap3A_51 = vector.load %arg8[%swap3A_49, %swap3A_50] : memref<1000x16xf32, #tpu.memory_space<vmem>>, vector<1000x16xf32>
    tpu.vector_store %arg8[%swap3A_49, %swap3A_50], %add3A_48 {strides = array<i32>} : memref<1000x16xf32, #tpu.memory_space<vmem>>, vector<1000x16xf32>,
    %broadcast_in_dim3A_52 = vector.shape_cast %div3A_24 : vector<1000x1xf32> to vector<1000x1xf32>
    %broadcast_in_dim3A_53 = vector.broadcast %broadcast_in_dim3A_52 : vector<1000x1xf32> to vector<1000x16xf32>
    %swap3A_54 = arith.constant 0 : index
    %swap3A_55 = arith.constant 0 : index
    %swap3A_56 = vector.load %arg9[%swap3A_54, %swap3A_55] : memref<1000x16xf32, #tpu.memory_space<vmem>>, vector<1000x16xf32>
    tpu.vector_store %arg9[%swap3A_54, %swap3A_55], %broadcast_in_dim3A_53 {strides = array<i32>} : memref<1000x16xf32, #tpu.memory_space<vmem>>, vector<1000x16xf32>,
    return
  }
  func.func @transform_0(%arg0: i32) -> (i32, i32, i32) {
    %c0_i32 = arith.constant 0 : i32
    %c0_i32_0 = arith.constant 0 : i32
    %c0_i32_1 = arith.constant 0 : i32
    return %c0_i32, %arg0, %c0_i32_0 : i32, i32, i32
  }
  func.func @transform_1(%arg0: i32) -> (i32, i32, i32) {
    %c0_i32 = arith.constant 0 : i32
    %c0_i32_0 = arith.constant 0 : i32
    %c0_i32_1 = arith.constant 0 : i32
    return %c0_i32, %arg0, %c0_i32_0 : i32, i32, i32
  }
  func.func @transform_2(%arg0: i32) -> (i32, i32) {
    %c0_i32 = arith.constant 0 : i32
    %c0_i32_0 = arith.constant 0 : i32
    return %arg0, %c0_i32 : i32, i32
  }
  func.func @transform_3(%arg0: i32) -> (i32, i32) {
    %c0_i32 = arith.constant 0 : i32
    %c0_i32_0 = arith.constant 0 : i32
    %c0_i32_1 = arith.constant 0 : i32
    return %c0_i32, %c0_i32_0 : i32, i32
  }
  func.func @transform_4(%arg0: i32) -> (i32, i32) {
    %c0_i32 = arith.constant 0 : i32
    %c0_i32_0 = arith.constant 0 : i32
    %c0_i32_1 = arith.constant 0 : i32
    return %c0_i32, %c0_i32_0 : i32, i32
  }
  func.func @transform_5(%arg0: i32) -> (i32, i32) {
    %c0_i32 = arith.constant 0 : i32
    %c0_i32_0 = arith.constant 0 : i32
    %c0_i32_1 = arith.constant 0 : i32
    return %c0_i32, %c0_i32_0 : i32, i32
  }
  func.func @transform_6(%arg0: i32) -> (i32, i32) {
    %c0_i32 = arith.constant 0 : i32
    %c0_i32_0 = arith.constant 0 : i32
    return %arg0, %c0_i32 : i32, i32
  }
  func.func @transform_7(%arg0: i32) -> (i32, i32) {
    %c0_i32 = arith.constant 0 : i32
    %c0_i32_0 = arith.constant 0 : i32
    return %arg0, %c0_i32 : i32, i32
  }
  func.func @transform_8(%arg0: i32) -> (i32, i32) {
    %c0_i32 = arith.constant 0 : i32
    %c0_i32_0 = arith.constant 0 : i32
    return %arg0, %c0_i32 : i32, i32
  }
}

module attributes {stable_mosaic.version = 14 : i64} {
  func.func @body(%arg0: i32, %arg1: memref<2x1000x16xf32, #tpu.memory_space<vmem>>, %arg2: memref<1000x16xf32, #tpu.memory_space<vmem>>, %arg3: memref<1000x16xf32, #tpu.memory_space<vmem>>, %arg4: memref<1000x16xf32, #tpu.memory_space<vmem>>) attributes {dimension_semantics = [#tpu.dimension_semantics<arbitrary>], iteration_bounds = array<i64: 10>, scalar_prefetch = 0 : i64, scratch_operands = 0 : i64, tpu.core_type = #tpu.core_type<tc>, window_params = [{transform_indices = @transform_0, window_bounds = array<i64: 2, 1000, 16>}, {transform_indices = @transform_1, window_bounds = array<i64: 1000, 16>}, {transform_indices = @transform_2, window_bounds = array<i64: 1000, 16>}, {transform_indices = @transform_3, window_bounds = array<i64: 1000, 16>}]} {
    %get3A = arith.constant 0 : index
    %get3A_0 = arith.constant 0 : index
    %get3A_1 = arith.constant 0 : index
    %get3A_2 = vector.load %arg1[%get3A, %get3A_0, %get3A_1] : memref<2x1000x16xf32, #tpu.memory_space<vmem>>, vector<1x1000x16xf32>
    %get3A_3 = vector.shape_cast %get3A_2 : vector<1x1000x16xf32> to vector<1000x16xf32>
    %get3A_4 = arith.constant 1 : index
    %get3A_5 = arith.constant 0 : index
    %get3A_6 = arith.constant 0 : index
    %get3A_7 = vector.load %arg1[%get3A_4, %get3A_5, %get3A_6] : memref<2x1000x16xf32, #tpu.memory_space<vmem>>, vector<1x1000x16xf32>
    %get3A_8 = vector.shape_cast %get3A_7 : vector<1x1000x16xf32> to vector<1000x16xf32>
    %add3A = arith.addf %get3A_3, %get3A_8 : vector<1000x16xf32>
    %get3A_9 = arith.constant 0 : index
    %get3A_10 = arith.constant 0 : index
    %get3A_11 = vector.load %arg2[%get3A_9, %get3A_10] : memref<1000x16xf32, #tpu.memory_space<vmem>>, vector<1000x16xf32>
    %mul3A = arith.mulf %add3A, %get3A_11 : vector<1000x16xf32>
    %get3A_12 = arith.constant 0 : index
    %get3A_13 = arith.constant 0 : index
    %get3A_14 = vector.load %arg3[%get3A_12, %get3A_13] : memref<1000x16xf32, #tpu.memory_space<vmem>>, vector<1000x16xf32>
    %add3A_15 = arith.addf %mul3A, %get3A_14 : vector<1000x16xf32>
    %swap3A = arith.constant 0 : index
    %swap3A_16 = arith.constant 0 : index
    %swap3A_17 = vector.load %arg4[%swap3A, %swap3A_16] : memref<1000x16xf32, #tpu.memory_space<vmem>>, vector<1000x16xf32>
    tpu.vector_store %arg4[%swap3A, %swap3A_16], %add3A_15 {strides = array<i32>} : memref<1000x16xf32, #tpu.memory_space<vmem>>, vector<1000x16xf32>,
    return
  }
  func.func @transform_0(%arg0: i32) -> (i32, i32, i32) {
    %c0_i32 = arith.constant 0 : i32
    %c0_i32_0 = arith.constant 0 : i32
    %c0_i32_1 = arith.constant 0 : i32
    return %c0_i32, %arg0, %c0_i32_0 : i32, i32, i32
  }
  func.func @transform_1(%arg0: i32) -> (i32, i32) {
    %c0_i32 = arith.constant 0 : i32
    %c0_i32_0 = arith.constant 0 : i32
    return %arg0, %c0_i32 : i32, i32
  }
  func.func @transform_2(%arg0: i32) -> (i32, i32) {
    %c0_i32 = arith.constant 0 : i32
    %c0_i32_0 = arith.constant 0 : i32
    return %arg0, %c0_i32 : i32, i32
  }
  func.func @transform_3(%arg0: i32) -> (i32, i32) {
    %c0_i32 = arith.constant 0 : i32
    %c0_i32_0 = arith.constant 0 : i32
    return %arg0, %c0_i32 : i32, i32
  }
}

</mosaic_0001>

<sc_bundles>
// kernel: kernel.10.cloned.1.call-start
scs
__scs_entry_jumppad:
0x0: {  	(pc) =	sbr.rel $0x88, $3  }
0x1: {  	(tag) =	ssettag $0x0;
	lr =	simm.s32 $0x1  }
0x2: {  	[smem:$0x3F99] =	sst lr;
	_ =	strace $0xD0000000  }
0x3: {  	_ = 	snop  }
0x4: {  	_ = 	snop  }
0x5: {  	_ = 	snop  }
0x6: {  	_ = 	snop  }
0x7: {  	_ = 	snop  }
__scs_overlays_trampoline_lowered:
0x8: {  	[smem:$0x3FA8] =	sst s0  }
0x9: {  	[smem:$0x3FA9] =	sst s1  }
0xa: {  	[smem:$0x3FAA] =	sst s2  }
0xb: {  	[smem:$0x3FAB] =	sst s3  }
0xc: {  	[smem:$0x3FAC] =	sst s4  }
0xd: {  	[smem:$0x3FAD] =	sst s5  }
0xe: {  	[smem:$0x3FAE] =	sst s6  }
0xf: {  	[smem:$0x3FAF] =	sst s7  }
0x10: {  	[smem:$0x3FB0] =	sst s8  }
0x11: {  	[smem:$0x3FB1] =	sst s9;
	s0 =	simm.s32 @!p0 $0x0  }
0x12: {  	s1 =	sld [smem:$0x3F97];
	s0 =	simm.s32 @p0 $0x1  }
0x13: {  	[smem:$0x3FB2] =	sst s0;
	s0 =	simm.s32 @!p1 $0x0  }
0x14: {  	s2 =	sld [smem:$0x3F96];
	s0 =	simm.s32 @p1 $0x1  }
0x15: {  	[smem:$0x3FB3] =	sst s0;
	s0 =	simm.s32 @!p2 $0x0  }
0x16: {  	s3 =	sld [smem:$0x3FDB];
	s0 =	simm.s32 @p2 $0x1  }
0x17: {  	s4 =	simm.s32 $0x1BF5;
	[smem:$0x3FB5] =	sst s0  }
0x18: {  	s0 =	sld [smem:$0x3F98];
	_ =	swait.ge [sflag:s4], $0x0  }
0x19: {  	s7 =	sld [smem:$0x3F99]  }
0x1a: {  	s8 =	sadd.s32 $0xFFFFE003, lr  }
0x1b: {  	s9 =	sadd.s32 $0xFFFFFEF7, lr;
	s5 =	simm.s32 $0xFFFFFFFF;
	p2 =	slt.u32 s8, $0xFFFFF086  }
0x1c: {  	p1 =	slt.u32 s9, $0xF7A;
	s5 =	simm.s32 @!p2 $0x0  }
0x1d: {  	s5 =	simm.s32 @p1 $0x1;
	p0 =	seq.s32 s7, s2  }
0x1e: {  	s7 =	smul.u32 @!p0 $0xF7A, s2;
	p2 =	seq.s32 @!p0 s5, $0x0  }
0x1f: {  	s9 =	smul.u32 $0xF7A, s1;
	s8 =	simm.s32 @!p0 $0x1BF5;
	p2 =	por !p2, p0  }
0x20: {  	[sflag:s8] =	ssyncset.s32 @!p0 $0xFFFFF086;
	s6 =	sadd.s32 @!p0 s3, s7;
	s7 =	simm.s32 @!p0 $0x108  }
0x21: {  	s3 =	sadd.s32 s3, s9;
	s6 =	sadd.s32 @!p0 $0x88, s6;
	s7 =	simm.s32 @p2 $0x1082  }
0x22: {  	[simem:s7], [sflag:s8] =	dma.local @!p0 [hbm:s6], $0xF7A  }
0x23: {  	s9 =	sor.u32 $0xD0000000, s2;
	s6 =	simm.s32 $0x108;
	_ =	swait.ge @!p0 [sflag:s8], $0x0  }
0x24: {  	s3 =	sadd.s32 $0x88, s3;
	s6 =	simm.s32 @!p1 $0x1082;
	[sflag:s4] =	ssyncset.s32 $0xFFFFF086  }
0x25: {  	[simem:s6], [sflag:s4] =	dma.local [hbm:s3], $0xF7A  }
0x26: {  	[smem:$0x3F99] =	sst s1;
	(tag) =	ssettag s2;
	_ =	strace s9  }
0x27: {  	s1 =	sld [smem:$0x3FA9]  }
0x28: {  	s2 =	sld [smem:$0x3FAA]  }
0x29: {  	s4 =	sld [smem:$0x3FAC]  }
0x2a: {  	p0 =	seq.s32 s5, $0x0;
	s5 =	sld [smem:$0x3FAD]  }
0x2b: {  	s6 =	sld [smem:$0x3FAE]  }
0x2c: {  	s7 =	sld [smem:$0x3FAF]  }
0x2d: {  	s3 =	simm.s32 $0x108;
	s8 =	sld [smem:$0x3FB0]  }
0x2e: {  	s3 =	simm.s32 @!p0 $0x1082;
	s9 =	sld [smem:$0x3FB1]  }
0x2f: {  	lr =	sadd.s32 s0, s3;
	s0 =	sld [smem:$0x3FA8]  }
0x30: {  	s3 =	sld [smem:$0x3FAB]  }
0x31: {  	[smem:$0x3FB4] =	sst s10  }
0x32: {  	s10 =	sld [smem:$0x3FB2];
	_ =	sdelay $0x3  }
0x33: {  	p0 =	seq.s32 s10, $0x1;
	s10 =	sld [smem:$0x3FB4];
	_ =	sdelay $0x3  }
0x34: {  	[smem:$0x3FB4] =	sst s10  }
0x35: {  	s10 =	sld [smem:$0x3FB3];
	_ =	sdelay $0x3  }
0x36: {  	p1 =	seq.s32 s10, $0x1;
	s10 =	sld [smem:$0x3FB4];
	_ =	sdelay $0x3  }
0x37: {  	[smem:$0x3FB4] =	sst s10  }
0x38: {  	s10 =	sld [smem:$0x3FB5]  }
0x39: {  	_ = 	snop;
	(pc) =	sbr.ind lr, $3  }
0x3a: {  	_ = 	snop  }
0x3b: {  	_ = 	snop  }
0x3c: {  	p2 =	seq.s32 s10, $0x1;
	s10 =	sld [smem:$0x3FB4]  }
0x3d: {  	_ =	shalt  }
0x3e: {  	_ =	shalt  }
0x3f: {  	_ =	shalt  }
0x40: {  	_ =	shalt  }
0x41: {  	_ =	shalt  }
0x42: {  	_ =	shalt  }
0x43: {  	_ =	shalt  }
0x44: {  	_ =	shalt  }
0x45: {  	_ =	shalt  }
0x46: {  	_ =	shalt  }
0x47: {  	_ =	shalt  }
0x48: {  	_ =	shalt  }
0x49: {  	_ =	shalt  }
0x4a: {  	_ =	shalt  }
0x4b: {  	_ =	shalt  }
0x4c: {  	_ =	shalt  }
0x4d: {  	_ =	shalt  }
0x4e: {  	_ =	shalt  }
0x4f: {  	_ =	shalt  }
0x50: {  	_ =	shalt  }
0x51: {  	_ =	shalt  }
0x52: {  	_ =	shalt  }
0x53: {  	_ =	shalt  }
0x54: {  	_ =	shalt  }
0x55: {  	_ =	shalt  }
0x56: {  	_ =	shalt  }
0x57: {  	_ =	shalt  }
0x58: {  	_ =	shalt  }
0x59: {  	_ =	shalt  }
0x5a: {  	_ =	shalt  }
0x5b: {  	_ =	shalt  }
0x5c: {  	_ =	shalt  }
0x5d: {  	_ =	shalt  }
0x5e: {  	_ =	shalt  }
0x5f: {  	_ =	shalt  }
0x60: {  	_ =	shalt  }
0x61: {  	_ =	shalt  }
0x62: {  	_ =	shalt  }
0x63: {  	_ =	shalt  }
0x64: {  	_ =	shalt  }
0x65: {  	_ =	shalt  }
0x66: {  	_ =	shalt  }
0x67: {  	_ =	shalt  }
0x68: {  	_ =	shalt  }
0x69: {  	_ =	shalt  }
0x6a: {  	_ =	shalt  }
0x6b: {  	_ =	shalt  }
0x6c: {  	_ =	shalt  }
0x6d: {  	_ =	shalt  }
0x6e: {  	_ =	shalt  }
0x6f: {  	_ =	shalt  }
0x70: {  	_ =	shalt  }
0x71: {  	_ =	shalt  }
0x72: {  	_ =	shalt  }
0x73: {  	_ =	shalt  }
0x74: {  	_ =	shalt  }
0x75: {  	_ =	shalt  }
0x76: {  	_ =	shalt  }
0x77: {  	_ =	shalt  }
0x78: {  	_ =	shalt  }
0x79: {  	_ =	shalt  }
0x7a: {  	_ =	shalt  }
0x7b: {  	_ =	shalt  }
0x7c: {  	_ =	shalt  }
0x7d: {  	_ =	shalt  }
0x7e: {  	_ =	shalt  }
0x7f: {  	_ =	shalt  }
0x80: {  	_ =	shalt  }
0x81: {  	_ =	shalt  }
0x82: {  	_ =	shalt  }
0x83: {  	_ =	shalt  }
0x84: {  	_ =	shalt  }
0x85: {  	_ =	shalt  }
0x86: {  	_ =	shalt  }
0x87: {  	_ =	shalt  }
.Lfunc_end0:
.L_simem_size_0:
called_computation.1_lowered:
.L_overlay_start_0:
0x88: {  	s2 =	sld [smem:$0x3FD9]  }
0x89: {  	s3 =	sld [smem:$0x3FFE];
	_ =	sdelay $0x1  }
0x8a: {  	s1 =	srdreg.scid  }
0x8b: {  	s0 =	sand.u32 $0x1, s1  }
0x8c: {  	s17 =	sshll.u32 s0, $0xA;
	s2 =	sadd.s32 s3, s2  }
0x8d: {  	s2 =	sadd.s32 s2, s17  }
0x8e: {  	[smem:$0x3FC0] =	sst s2  }
0x8f: {  	_ = 	snop  }
0x90: {  	s2 =	sld [smem:$0x3FD0];
	(tm) =	ssettm $0x1  }
0x91: {  	s18 =	sld [smem:$0x3FFB];
	_ =	sdelay $0x3  }
0x92: {  	_ =	strace s18  }
0x93: {  	s3 =	sld [smem:$0x3FFC];
	_ =	sdelay $0x3  }
0x94: {  	_ =	strace s3  }
0x95: {  	s3 =	sld [smem:$0x3FFD];
	_ =	sdelay $0x3  }
0x96: {  	_ =	strace s3  }
0x97: {  	_ =	strace $0x8FFFFFFF  }
0x98: {  	s19 =	sld [smem:$0x3FDB];
	_ =	sdelay $0x1  }
0x99: {  	s4 =	simm.s32 $_scs_section_size  }
0x9a: {  	s5 =	simm.s32 $_size__tile_overlayer_lowered;
	s6 =	simm.s32 $_tile_overlayer_lowered  }
0x9b: {  	s22 =	simm.s32 $0x1BFF;
	s21 =	sshll.u32 s6, $0x1;
	s3 =	sadd.s32 s4, s19  }
0x9c: {  	s7 =	simm.s32 $0x0;
	s20 =	sshll.u32 s5, $0x1;
	s5 =	sadd.s32 s21, s3  }
0x9d: {  	[timem:s7], [sflag:s22] =	dma.local [hbm:s5], s20  }
0x9e: {  	_ =	swait.ge [sflag:s22], s20  }
0x9f: {  	s4 =	ssub.s32 $0x0, s20;
	[sflag:s22] =	ssyncset.done $0x0  }
0xa0: {  	[sflag:s22] =	ssyncadd.s32 s4;
	_ =	sdelay $0x1  }
0xa1: {  	s23 =	simm.s32 $0x1B8B  }
0xa2: {  	_ =	swait.ge [sflag:s23], $0x1  }
0xa3: {  	[sflag:s23] =	ssyncset.done $0x0  }
0xa4: {  	s25 =	simm.s32 $0x1B8E;
	s24 =	sld [smem:$0x3FFE];
	[sflag:s23] =	ssyncadd.s32 $0xFFFFFFFF  }
0xa5: {  	s26 =	simm.s32 $execute0_lowered;
	[smem:$0x3FD2] =	sst s25  }
0xa6: {  	s5 =	sshll.u32 s26, $0x1;
	_ =	strace $0x8000004D;
	[dreg:$0x1] =	wrdreg $0xFFFFFFFF  }
0xa7: {  	s28 =	simm.s32 $_size_execute0_lowered;
	s3 =	sadd.s32 s3, s5;
	[dreg:$0x0] =	wrdreg $0x0  }
0xa8: {  	s5 =	sshll.u32 s28, $0x1;
	[dreg:$0x2] =	wrdreg s3  }
0xa9: {  	[dreg:$0x3] =	wrdreg s5  }
0xaa: {  	[dreg:$0x4] =	wrdreg $0xC0  }
0xab: {  	_ =	task [dreg:s7], $0x5FFFF  }
0xac: {  	[dreg:$0x1] =	wrdreg $0xFFFFFFFF  }
0xad: {  	[dreg:$0x0] =	wrdreg $0x60  }
0xae: {  	[dreg:$0x2] =	wrdreg s2  }
0xaf: {  	[dreg:$0x3] =	wrdreg s24  }
0xb0: {  	[dreg:$0x4] =	wrdreg $0x95800  }
0xb1: {  	[dreg:$0x5] =	wrdreg $0x9  }
0xb2: {  	_ =	task.clear_ibuf [dreg:s7], $0x6FFFF;
	_ =	strace $0x9000004D  }
0xb3: {  	s29 =	simm.s32 $0x9;
	_ =	strace $0x80000053  }
0xb4: {  	_ =	swait.ge [sflag:s29], $0x1  }
0xb5: {  	[sflag:s29] =	ssyncadd.s32 $0xFFFFFFFF  }
0xb6: {  	_ =	strace $0x90000053  }
0xb7: {  	_ =	sfence  }
0xb8: {  	s30 =	sld [smem:$0x0];
	_ =	sdelay $0x2  }
0xb9: {  	s31 =	sshll.u32 s1, $0xD;
	s1 =	sshrl.u32 s1, $0x2  }
0xba: {  	s3 =	sand.u32 $0x4000, s31;
	s1 =	sadd.s32 s1, s30  }
0xbb: {  	s0 =	sor.u32 s3, s0;
	s1 =	sshll.u32 s1, $0x11  }
0xbc: {  	s0 =	sor.u32 s1, s0  }
0xbd: {  	s0 =	sadd.s32 $0x8F2B, s0  }
0xbe: {  	[sflag:s0] =	ssyncadd.remote.s32 $0x1  }
0xbf: {  	_ =	sfence.sel $0xFFFF  }
0xc0: {  	[dreg:$0x0] =	wrdreg $0xFFFFFFFF;
	(pc) =	sbr.abs _section_cstart, $3  }
0xc1: {  	[dreg:$0x1] =	wrdreg $0xFFFFFFFF  }
0xc2: {  	_ =	task.clear_ibuf [dreg:s7], $0x2FFFF;
	_ =	strace $0x9FFFFFFF  }
0xc3: {  	(tm) =	ssettm $0x7FFFFFFF  }
tec
execute0_lowered:
.L_overlay_start_1:
0x0: {  	(tag) =	ssettag $0x1  }
0x1: {  	s2 =	rddreg [dreg:$0x0]  }
0x2: {  	s5 =	rddreg [dreg:$0x1]  }
0x3: {  	s3 =	rddreg [dreg:$0x2]  }
0x4: {  	s1 =	stileid.u32;
	s7 =	srdreg.scid;
	s4 =	simm.s32 $0x0  }
0x5: {  	s14 =	simm.s32 $0x80;
	s15 =	simm.s32 $0x5E00;
	s16 =	simm.s32 $0x6600  }
0x6: {  	s17 =	simm.s32 $0x6E00;
	s18 =	simm.s32 $0x1;
	s6 =	smul.u32 $0x5E, s1  }
0x7: {  	s19 =	simm.s32 $0x2;
	s20 =	simm.s32 $0x0;
	s8 =	smul.u32 $0x42, s1  }
0x8: {  	s7 =	sand.u32 $0x1, s7;
	s9 =	smul.u32 $0x2780, s1;
	[smem:$0x7FF] =	sst s4  }
0x9: {  	p0 =	seq.s32 s7, $0x0;
	s10 =	smul.u32 $0x27800, s7;
	s7 =	ssub.s32 $0x2, s7  }
0xa: {  	_ =	strace $0x8000004E;
	s8 =	sadd.s32 $0x5E0, s8;
	s31 =	sshrl.u32 s7, $0x1  }
0xb: {  	s8 =	smov.u32 @p0 s6;
	s28 =	sadd.s32 s9, s10;
	s12 =	ssub.s32 s7, s31  }
0xc: {  	s6 =	sshll.u32 s8, $0x4;
	s30 =	sshrl.u32 s28, $0x3;
	s8 =	sadd.s32 s9, s3  }
0xd: {  	s29 =	sadd.s32 s6, s5;
	s11 =	sadd.s32 s30, s5;
	s5 =	simm.s32 $0x5E  }
0xe: {  	s10 =	smax.u32 s12, $0x1;
	s12 =	simm.s32 $0x3;
	s5 =	simm.s32 @!p0 $0x42  }
0xf: {  	s6 =	sadd.s32 $0x15400, s29;
	s7 =	sadd.s32 $0xB200, s29;
	s13 =	sshrl.u32 s5, $0x1  }
0x10: {  	v0 =	vimm.f32 $0.0e+00;
	s9 =	sadd.s32 $0x1F600, s11;
	s11 =	sadd.s32 $0xFFFFFFFF, s13;
	s13 =	simm.s32 $0x2F00  }
.LBB2_1:
0x11: {  	_ =	strace $0x8000004F  }
0x12: {  	[tilespmem:s4], [sflag:$0x3] =	stream.linear.gather [hbm4b:s6+s4], $0x2F00, $0x200038;
	[tilespmem:$0xBD00] =	vst v63  }
0x13: {  	_ =	swait.ge [sflag:s12], $0x2F00  }
0x14: {  	[sflag:s12] =	ssyncset.done $0x0  }
0x15: {  	[sflag:s12] =	ssyncadd.s32 $0xFFFFD100  }
0x16: {  	[tilespmem:s13], [sflag:$0x3] =	stream.linear.gather [hbm4b:s7+s4], $0x2F00, $0x200038;
	[tilespmem:$0xBD00] =	vst v63  }
0x17: {  	_ =	swait.ge [sflag:s12], $0x2F00  }
0x18: {  	[sflag:s12] =	ssyncset.done $0x0  }
0x19: {  	[sflag:s12] =	ssyncadd.s32 $0xFFFFD100  }
0x1a: {  	[tilespmem:s15], [sflag:$0x1] =	stream.indirect.gather [hbm4b:s2+s14], $0x10, s4, s14, $0x2000b8;
	[tilespmem:$0xBD00] =	vst v63  }
0x1b: {  	_ = 	snop  }
0x1c: {  	[tilespmem:s16], [sflag:$0x2] =	stream.indirect.gather [hbm4b:s2+s14], $0x10, s14, s14, $0x2000b8;
	[tilespmem:$0xBD00] =	vst v63  }
0x1d: {  	_ =	strace $0x9000004F  }
0x1e: {  	s21 =	simm.s32 $0x40;
	s22 =	simm.s32 $0x0;
	_ =	strace $0x80000050  }
.LBB2_2:
0x1f: {  	p0 =	sne.s32 s21, $0x9DC0;
	[tilespmem:s22+$0x6E00] =	vst v0;
	s22 =	smov.u32 s21;
	s21 =	sadd.s32 $0x40, s21  }
.Ltmp0:
0x20: {  	(pc) =	sbr.rel @p0 .LBB2_2-.Ltmp0, $2  }
0x21: {  	_ =	sdelay $0x2  }
0x22: {  	s22 =	sshra.s32 s22, $0x2  }
0x23: {  	[tilespmem:s22+$0x6E00] =	vst v0;
	s21 =	simm.s32 $0x3  }
0x24: {  	[spmem:s8] =	stream.linear.scatter [tilespmem:s17], [sflag:$0x3], $0x2780, $0x200038;
	[tilespmem:$0xBD00] =	vst v63  }
0x25: {  	_ =	swait.ge [sflag:s21], $0x2780  }
0x26: {  	[sflag:s21] =	ssyncset.done $0x0  }
0x27: {  	[sflag:s21] =	ssyncadd.s32 $0xFFFFD880  }
0x28: {  	[bflag:$0x0] =	sbarrier.arrive $0xFFFF  }
0x29: {  	_ =	strace $0x90000050  }
0x2a: {  	_ =	strace $0x80000051  }
0x2b: {  	_ =	swait.ge [sflag:s18], $0x800  }
0x2c: {  	[sflag:s18] =	ssyncset.done $0x0  }
0x2d: {  	s31 =	simm.s32 $0x2F00;
	[sflag:s18] =	ssyncadd.s32 $0xFFFFF800  }
0x2e: {  	[spmem:s3] =	stream.indirect.scatter.add.f32 [tilespmem:s15], [sflag:$0x3], $0x10, s31, s14, $0x2000b8;
	[tilespmem:$0xBD00] =	vst v63  }
0x2f: {  	p0 =	sle.u32 s5, $0x2;
	s25 =	sadd.s32 $0xFFFFFFFF, s11;
	_ =	swait.ge [sflag:s12], $0x800  }
0x30: {  	s24 =	simm.s32 $0x2F80;
	s22 =	simm.s32 @!p0 $0x80;
	[sflag:s12] =	ssyncset.done $0x0  }
0x31: {  	s23 =	simm.s32 @!p0 $0x5E00;
	s21 =	simm.s32 @!p0 $0x100;
	[sflag:s12] =	ssyncadd.s32 $0xFFFFF800  }
0x32: {  	[tilespmem:s23], [sflag:$0x1] =	stream.indirect.gather @!p0 [hbm4b:s2+s22], $0x10, s21, s22, $0x2000b8;
	[tilespmem:$0xBD00] =	vst v63  }
0x33: {  	p1 =	sle.u32 s5, $0x3;
	p0 =	sne.s32 s25, $0x0;
	_ =	swait.ge [sflag:s19], $0x800  }
.Ltmp1:
0x34: {  	s28 =	simm.s32 $0x180;
	[sflag:s19] =	ssyncset.done $0x0;
	(pc) =	sbr.rel @!p0 .LBB2_5-.Ltmp1, $4  }
0x35: {  	s26 =	simm.s32 $0x180;
	s29 =	simm.s32 @!p1 $0x80;
	[sflag:s19] =	ssyncadd.s32 $0xFFFFF800  }
0x36: {  	[spmem:s3] =	stream.indirect.scatter.add.f32 [tilespmem:s16], [sflag:$0x3], $0x10, s24, s14, $0x2000b8;
	[tilespmem:$0xBD00] =	vst v63  }
0x37: {  	s30 =	simm.s32 @!p1 $0x6600;
	s21 =	simm.s32 $0x180;
	_ =	swait.ge [sflag:s12], $0x800  }
0x38: {  	s23 =	simm.s32 $0x3080;
	s22 =	simm.s32 $0x5;
	[sflag:s12] =	ssyncset.done $0x0  }
.LBB2_4:
0x39: {  	s26 =	smov.u32 s21;
	s24 =	smov.u32 s23  }
0x3a: {  	s25 =	sadd.s32 $0xFFFFFFFF, s25;
	s21 =	sadd.s32 $0x100, s21;
	[sflag:s12] =	ssyncadd.s32 $0xFFFFF800  }
0x3b: {  	[tilespmem:s30], [sflag:$0x2] =	stream.indirect.gather @!p1 [hbm4b:s2+s29], $0x10, s28, s29, $0x2000b8;
	[tilespmem:$0xBD00] =	vst v63  }
0x3c: {  	p0 =	sne.s32 s25, $0x0;
	s28 =	smov.u32 s21;
	_ =	swait.ge [sflag:s18], $0x800  }
0x3d: {  	s29 =	sadd.s32 $0xFFFFFF80, s23;
	s30 =	smov.u32 s23;
	[sflag:s18] =	ssyncset.done $0x0  }
0x3e: {  	s31 =	sadd.s32 $0xFFFFFFFF, s22;
	[sflag:s18] =	ssyncadd.s32 $0xFFFFF800  }
0x3f: {  	[spmem:s3] =	stream.indirect.scatter.add.f32 [tilespmem:s15], [sflag:$0x3], $0x10, s29, s14, $0x2000b8;
	[tilespmem:$0xBD00] =	vst v63  }
0x40: {  	p1 =	sge.u32 s31, s5;
	_ =	swait.ge [sflag:s12], $0x800  }
0x41: {  	s31 =	simm.s32 @!p1 $0x80;
	s29 =	sadd.s32 @!p1 $0xFFFFFF80, s21;
	[sflag:s12] =	ssyncset.done $0x0  }
0x42: {  	s0 =	simm.s32 @!p1 $0x5E00;
	[sflag:s12] =	ssyncadd.s32 $0xFFFFF800  }
0x43: {  	[tilespmem:s0], [sflag:$0x1] =	stream.indirect.gather @!p1 [hbm4b:s2+s31], $0x10, s29, s31, $0x2000b8;
	[tilespmem:$0xBD00] =	vst v63  }
0x44: {  	_ =	swait.ge [sflag:s19], $0x800  }
.Ltmp2:
0x45: {  	[sflag:s19] =	ssyncset.done $0x0;
	(pc) =	sbr.rel @p0 .LBB2_4-.Ltmp2, $4  }
0x46: {  	s23 =	sadd.s32 $0x100, s23;
	[sflag:s19] =	ssyncadd.s32 $0xFFFFF800  }
0x47: {  	[spmem:s3] =	stream.indirect.scatter.add.f32 [tilespmem:s16], [sflag:$0x3], $0x10, s30, s14, $0x2000b8;
	[tilespmem:$0xBD00] =	vst v63  }
0x48: {  	p1 =	sge.u32 s22, s5;
	s22 =	sadd.s32 $0x2, s22;
	_ =	swait.ge [sflag:s12], $0x800  }
0x49: {  	s29 =	simm.s32 @!p1 $0x80;
	s30 =	simm.s32 @!p1 $0x6600;
	[sflag:s12] =	ssyncset.done $0x0  }
.LBB2_5:
0x4a: {  	[sflag:s12] =	ssyncadd.s32 $0xFFFFF800  }
0x4b: {  	[tilespmem:s30], [sflag:$0x2] =	stream.indirect.gather @!p1 [hbm4b:s2+s29], $0x10, s28, s29, $0x2000b8;
	[tilespmem:$0xBD00] =	vst v63  }
0x4c: {  	_ =	swait.ge [sflag:s18], $0x800  }
0x4d: {  	[sflag:s18] =	ssyncset.done $0x0  }
0x4e: {  	s0 =	sadd.s32 $0x80, s24;
	s31 =	sadd.s32 $0xFFFFFFFF, s22;
	[sflag:s18] =	ssyncadd.s32 $0xFFFFF800  }
0x4f: {  	[spmem:s3] =	stream.indirect.scatter.add.f32 [tilespmem:s15], [sflag:$0x3], $0x10, s0, s14, $0x2000b8;
	[tilespmem:$0xBD00] =	vst v63  }
0x50: {  	p0 =	sge.u32 s31, s5;
	_ =	swait.ge [sflag:s12], $0x800  }
0x51: {  	s24 =	simm.s32 @!p0 $0x80;
	[sflag:s12] =	ssyncset.done $0x0  }
0x52: {  	s25 =	simm.s32 @!p0 $0x5E00;
	s0 =	sadd.s32 @!p0 $0x80, s26;
	[sflag:s12] =	ssyncadd.s32 $0xFFFFF800  }
0x53: {  	[tilespmem:s25], [sflag:$0x1] =	stream.indirect.gather @!p0 [hbm4b:s2+s24], $0x10, s0, s24, $0x2000b8;
	[tilespmem:$0xBD00] =	vst v63  }
0x54: {  	_ =	swait.ge [sflag:s19], $0x800  }
0x55: {  	[sflag:s19] =	ssyncset.done $0x0  }
0x56: {  	[sflag:s19] =	ssyncadd.s32 $0xFFFFF800  }
0x57: {  	[spmem:s3] =	stream.indirect.scatter.add.f32 [tilespmem:s16], [sflag:$0x3], $0x10, s23, s14, $0x2000b8;
	[tilespmem:$0xBD00] =	vst v63  }
0x58: {  	_ =	swait.ge [sflag:s12], $0x800  }
0x59: {  	s0 =	sadd.s32 $0x100, s21;
	p0 =	sge.u32 s22, s5;
	[sflag:s12] =	ssyncset.done $0x0  }
0x5a: {  	s21 =	simm.s32 @!p0 $0x80;
	s22 =	simm.s32 @!p0 $0x6600;
	[sflag:s12] =	ssyncadd.s32 $0xFFFFF800  }
0x5b: {  	[tilespmem:s22], [sflag:$0x2] =	stream.indirect.gather @!p0 [hbm4b:s2+s21], $0x10, s0, s21, $0x2000b8;
	[tilespmem:$0xBD00] =	vst v63  }
0x5c: {  	[bflag:$0x0] =	sbarrier.arrive $0xFFFF  }
0x5d: {  	_ =	strace $0x90000051  }
0x5e: {  	_ =	strace $0x80000052  }
0x5f: {  	[tilespmem:s17], [sflag:$0x3] =	stream.linear.gather [spmem:s8], $0x2780, $0x200038;
	[tilespmem:$0xBD00] =	vst v63  }
0x60: {  	_ =	swait.ge [sflag:s12], $0x2780  }
0x61: {  	s20 =	sadd.s32 $0x1, s20;
	[sflag:s12] =	ssyncset.done $0x0  }
0x62: {  	p0 =	sne.s32 s20, s10;
	[sflag:s12] =	ssyncadd.s32 $0xFFFFD880  }
0x63: {  	[hbm4b:s9+s4] =	stream.linear.scatter [tilespmem:s17], [sflag:$0x3], $0x2780, $0x200038;
	[tilespmem:$0xBD00] =	vst v63  }
.Ltmp3:
0x64: {  	_ = 	snop;
	(pc) =	sbr.rel @p0 .LBB2_1-.Ltmp3, $4  }
0x65: {  	_ =	swait.ge [sflag:s12], $0x2780  }
0x66: {  	[sflag:s12] =	ssyncset.done $0x0  }
0x67: {  	[sflag:s12] =	ssyncadd.s32 $0xFFFFD880  }
0x68: {  	_ =	strace $0x90000052  }
0x69: {  	_ =	sfence.sel $0x180000  }
0x6a: {  	[bflag:$0x0] =	sbarrier.arrive $0xFFFF  }
0x6b: {  	_ =	strace $0x9000004E  }
0x6c: {  	[bflag:$0x2] =	sbarrier.arrive $0xFFFF  }
0x6d: {  	p0 =	sne.s32 s1, $0x0;
	s0 =	rddreg [dreg:$0x3]  }
0x6e: {  	s0 =	sadd.s32 @!p0 $0x100000, s0  }
0x6f: {  	[sflag:s0] =	ssyncadd.tile.s32 @!p0 $0x1;
	_ =	shalt  }
.Lfunc_end2:
_tile_overlayer_lowered:
.L_overlay_start_2:
0x70: {  	(tag) =	ssettag $0x2  }
0x71: {  	s0 =	rddreg [dreg:$0x0];
	s2 =	stileid.u32  }
0x72: {  	s1 =	rddreg [dreg:$0x1];
	p0 =	sne.s32 s2, $0x0  }
0x73: {  	s3 =	rddreg [dreg:$0x2];
	[bflag:$0x3] =	sbarrier.arrive $0xFFFF;
	s2 =	simm.s32 @!p0 $0x1C03  }
0x74: {  	[timem:s3], [sflag:s2] =	dma.local @!p0 [hbm:s0], s1  }
0x75: {  	s0 =	simm.s32 @!p0 $0x3  }
0x76: {  	_ =	swait.ge @!p0 [sflag:s0], s1  }
0x77: {  	s1 =	ssub.s32 @!p0 $0x0, s1;
	[sflag:s0] =	ssyncset.done @!p0 $0x0  }
0x78: {  	[sflag:s0] =	ssyncadd.s32 @!p0 s1  }
0x79: {  	[bflag:$0x3] =	sbarrier.arrive $0xFFFF  }
0x7a: {  	_ =	shalt  }

// kernel: kernel.7.cloned.1.call-start
scs
__scs_entry_jumppad:
0x0: {  	(pc) =	sbr.rel $0x88, $3  }
0x1: {  	(tag) =	ssettag $0x0;
	lr =	simm.s32 $0x1  }
0x2: {  	[smem:$0x3F99] =	sst lr;
	_ =	strace $0xD0000000  }
0x3: {  	_ = 	snop  }
0x4: {  	_ = 	snop  }
0x5: {  	_ = 	snop  }
0x6: {  	_ = 	snop  }
0x7: {  	_ = 	snop  }
__scs_overlays_trampoline_lowered:
0x8: {  	[smem:$0x3FA8] =	sst s0  }
0x9: {  	[smem:$0x3FA9] =	sst s1  }
0xa: {  	[smem:$0x3FAA] =	sst s2  }
0xb: {  	[smem:$0x3FAB] =	sst s3  }
0xc: {  	[smem:$0x3FAC] =	sst s4  }
0xd: {  	[smem:$0x3FAD] =	sst s5  }
0xe: {  	[smem:$0x3FAE] =	sst s6  }
0xf: {  	[smem:$0x3FAF] =	sst s7  }
0x10: {  	[smem:$0x3FB0] =	sst s8  }
0x11: {  	[smem:$0x3FB1] =	sst s9;
	s0 =	simm.s32 @!p0 $0x0  }
0x12: {  	s1 =	sld [smem:$0x3F97];
	s0 =	simm.s32 @p0 $0x1  }
0x13: {  	[smem:$0x3FB2] =	sst s0;
	s0 =	simm.s32 @!p1 $0x0  }
0x14: {  	s2 =	sld [smem:$0x3F96];
	s0 =	simm.s32 @p1 $0x1  }
0x15: {  	[smem:$0x3FB3] =	sst s0;
	s0 =	simm.s32 @!p2 $0x0  }
0x16: {  	s3 =	sld [smem:$0x3FDB];
	s0 =	simm.s32 @p2 $0x1  }
0x17: {  	s4 =	simm.s32 $0x1BF5;
	[smem:$0x3FB5] =	sst s0  }
0x18: {  	s0 =	sld [smem:$0x3F98];
	_ =	swait.ge [sflag:s4], $0x0  }
0x19: {  	s7 =	sld [smem:$0x3F99]  }
0x1a: {  	s8 =	sadd.s32 $0xFFFFE003, lr  }
0x1b: {  	s9 =	sadd.s32 $0xFFFFFEF7, lr;
	s5 =	simm.s32 $0xFFFFFFFF;
	p2 =	slt.u32 s8, $0xFFFFF086  }
0x1c: {  	p1 =	slt.u32 s9, $0xF7A;
	s5 =	simm.s32 @!p2 $0x0  }
0x1d: {  	s5 =	simm.s32 @p1 $0x1;
	p0 =	seq.s32 s7, s2  }
0x1e: {  	s7 =	smul.u32 @!p0 $0xF7A, s2;
	p2 =	seq.s32 @!p0 s5, $0x0  }
0x1f: {  	s9 =	smul.u32 $0xF7A, s1;
	s8 =	simm.s32 @!p0 $0x1BF5;
	p2 =	por !p2, p0  }
0x20: {  	[sflag:s8] =	ssyncset.s32 @!p0 $0xFFFFF086;
	s6 =	sadd.s32 @!p0 s3, s7;
	s7 =	simm.s32 @!p0 $0x108  }
0x21: {  	s3 =	sadd.s32 s3, s9;
	s6 =	sadd.s32 @!p0 $0x88, s6;
	s7 =	simm.s32 @p2 $0x1082  }
0x22: {  	[simem:s7], [sflag:s8] =	dma.local @!p0 [hbm:s6], $0xF7A  }
0x23: {  	s9 =	sor.u32 $0xD0000000, s2;
	s6 =	simm.s32 $0x108;
	_ =	swait.ge @!p0 [sflag:s8], $0x0  }
0x24: {  	s3 =	sadd.s32 $0x88, s3;
	s6 =	simm.s32 @!p1 $0x1082;
	[sflag:s4] =	ssyncset.s32 $0xFFFFF086  }
0x25: {  	[simem:s6], [sflag:s4] =	dma.local [hbm:s3], $0xF7A  }
0x26: {  	[smem:$0x3F99] =	sst s1;
	(tag) =	ssettag s2;
	_ =	strace s9  }
0x27: {  	s1 =	sld [smem:$0x3FA9]  }
0x28: {  	s2 =	sld [smem:$0x3FAA]  }
0x29: {  	s4 =	sld [smem:$0x3FAC]  }
0x2a: {  	p0 =	seq.s32 s5, $0x0;
	s5 =	sld [smem:$0x3FAD]  }
0x2b: {  	s6 =	sld [smem:$0x3FAE]  }
0x2c: {  	s7 =	sld [smem:$0x3FAF]  }
0x2d: {  	s3 =	simm.s32 $0x108;
	s8 =	sld [smem:$0x3FB0]  }
0x2e: {  	s3 =	simm.s32 @!p0 $0x1082;
	s9 =	sld [smem:$0x3FB1]  }
0x2f: {  	lr =	sadd.s32 s0, s3;
	s0 =	sld [smem:$0x3FA8]  }
0x30: {  	s3 =	sld [smem:$0x3FAB]  }
0x31: {  	[smem:$0x3FB4] =	sst s10  }
0x32: {  	s10 =	sld [smem:$0x3FB2];
	_ =	sdelay $0x3  }
0x33: {  	p0 =	seq.s32 s10, $0x1;
	s10 =	sld [smem:$0x3FB4];
	_ =	sdelay $0x3  }
0x34: {  	[smem:$0x3FB4] =	sst s10  }
0x35: {  	s10 =	sld [smem:$0x3FB3];
	_ =	sdelay $0x3  }
0x36: {  	p1 =	seq.s32 s10, $0x1;
	s10 =	sld [smem:$0x3FB4];
	_ =	sdelay $0x3  }
0x37: {  	[smem:$0x3FB4] =	sst s10  }
0x38: {  	s10 =	sld [smem:$0x3FB5]  }
0x39: {  	_ = 	snop;
	(pc) =	sbr.ind lr, $3  }
0x3a: {  	_ = 	snop  }
0x3b: {  	_ = 	snop  }
0x3c: {  	p2 =	seq.s32 s10, $0x1;
	s10 =	sld [smem:$0x3FB4]  }
0x3d: {  	_ =	shalt  }
0x3e: {  	_ =	shalt  }
0x3f: {  	_ =	shalt  }
0x40: {  	_ =	shalt  }
0x41: {  	_ =	shalt  }
0x42: {  	_ =	shalt  }
0x43: {  	_ =	shalt  }
0x44: {  	_ =	shalt  }
0x45: {  	_ =	shalt  }
0x46: {  	_ =	shalt  }
0x47: {  	_ =	shalt  }
0x48: {  	_ =	shalt  }
0x49: {  	_ =	shalt  }
0x4a: {  	_ =	shalt  }
0x4b: {  	_ =	shalt  }
0x4c: {  	_ =	shalt  }
0x4d: {  	_ =	shalt  }
0x4e: {  	_ =	shalt  }
0x4f: {  	_ =	shalt  }
0x50: {  	_ =	shalt  }
0x51: {  	_ =	shalt  }
0x52: {  	_ =	shalt  }
0x53: {  	_ =	shalt  }
0x54: {  	_ =	shalt  }
0x55: {  	_ =	shalt  }
0x56: {  	_ =	shalt  }
0x57: {  	_ =	shalt  }
0x58: {  	_ =	shalt  }
0x59: {  	_ =	shalt  }
0x5a: {  	_ =	shalt  }
0x5b: {  	_ =	shalt  }
0x5c: {  	_ =	shalt  }
0x5d: {  	_ =	shalt  }
0x5e: {  	_ =	shalt  }
0x5f: {  	_ =	shalt  }
0x60: {  	_ =	shalt  }
0x61: {  	_ =	shalt  }
0x62: {  	_ =	shalt  }
0x63: {  	_ =	shalt  }
0x64: {  	_ =	shalt  }
0x65: {  	_ =	shalt  }
0x66: {  	_ =	shalt  }
0x67: {  	_ =	shalt  }
0x68: {  	_ =	shalt  }
0x69: {  	_ =	shalt  }
0x6a: {  	_ =	shalt  }
0x6b: {  	_ =	shalt  }
0x6c: {  	_ =	shalt  }
0x6d: {  	_ =	shalt  }
0x6e: {  	_ =	shalt  }
0x6f: {  	_ =	shalt  }
0x70: {  	_ =	shalt  }
0x71: {  	_ =	shalt  }
0x72: {  	_ =	shalt  }
0x73: {  	_ =	shalt  }
0x74: {  	_ =	shalt  }
0x75: {  	_ =	shalt  }
0x76: {  	_ =	shalt  }
0x77: {  	_ =	shalt  }
0x78: {  	_ =	shalt  }
0x79: {  	_ =	shalt  }
0x7a: {  	_ =	shalt  }
0x7b: {  	_ =	shalt  }
0x7c: {  	_ =	shalt  }
0x7d: {  	_ =	shalt  }
0x7e: {  	_ =	shalt  }
0x7f: {  	_ =	shalt  }
0x80: {  	_ =	shalt  }
0x81: {  	_ =	shalt  }
0x82: {  	_ =	shalt  }
0x83: {  	_ =	shalt  }
0x84: {  	_ =	shalt  }
0x85: {  	_ =	shalt  }
0x86: {  	_ =	shalt  }
0x87: {  	_ =	shalt  }
.Lfunc_end0:
.L_simem_size_0:
called_computation_lowered:
.L_overlay_start_0:
0x88: {  	s2 =	sld [smem:$0x3FD9]  }
0x89: {  	s3 =	sld [smem:$0x3FFE];
	_ =	sdelay $0x1  }
0x8a: {  	s1 =	srdreg.scid  }
0x8b: {  	s0 =	sand.u32 $0x1, s1  }
0x8c: {  	s16 =	sshll.u32 s0, $0xA;
	s2 =	sadd.s32 s3, s2  }
0x8d: {  	s2 =	sadd.s32 s2, s16  }
0x8e: {  	[smem:$0x3FC0] =	sst s2  }
0x8f: {  	_ = 	snop  }
0x90: {  	(tm) =	ssettm $0x1  }
0x91: {  	s17 =	sld [smem:$0x3FFB];
	_ =	sdelay $0x3  }
0x92: {  	_ =	strace s17  }
0x93: {  	s2 =	sld [smem:$0x3FFC];
	_ =	sdelay $0x3  }
0x94: {  	_ =	strace s2  }
0x95: {  	s2 =	sld [smem:$0x3FFD];
	_ =	sdelay $0x3  }
0x96: {  	_ =	strace s2  }
0x97: {  	_ =	strace $0x8FFFFFFF  }
0x98: {  	s18 =	sld [smem:$0x3FDB];
	_ =	sdelay $0x1  }
0x99: {  	s19 =	simm.s32 $_scs_section_size  }
0x9a: {  	s4 =	simm.s32 $_size__tile_overlayer_lowered;
	s5 =	simm.s32 $_tile_overlayer_lowered  }
0x9b: {  	s22 =	simm.s32 $0x1BFF;
	s21 =	sshll.u32 s5, $0x1;
	s2 =	sadd.s32 s19, s18  }
0x9c: {  	s6 =	simm.s32 $0x0;
	s20 =	sshll.u32 s4, $0x1;
	s4 =	sadd.s32 s21, s2  }
0x9d: {  	[timem:s6], [sflag:s22] =	dma.local [hbm:s4], s20  }
0x9e: {  	_ =	swait.ge [sflag:s22], s20  }
0x9f: {  	s3 =	ssub.s32 $0x0, s20;
	[sflag:s22] =	ssyncset.done $0x0  }
0xa0: {  	[sflag:s22] =	ssyncadd.s32 s3;
	_ =	sdelay $0x1  }
0xa1: {  	s23 =	simm.s32 $0x1B8B  }
0xa2: {  	_ =	swait.ge [sflag:s23], $0x1  }
0xa3: {  	[sflag:s23] =	ssyncset.done $0x0  }
0xa4: {  	s25 =	simm.s32 $0x1B8E;
	s24 =	sld [smem:$0x3FFE];
	[sflag:s23] =	ssyncadd.s32 $0xFFFFFFFF  }
0xa5: {  	s26 =	simm.s32 $execute0_lowered;
	[smem:$0x3FD2] =	sst s25  }
0xa6: {  	s4 =	sshll.u32 s26, $0x1;
	_ =	strace $0x80000046;
	[dreg:$0x1] =	wrdreg $0xFFFFFFFF  }
0xa7: {  	s28 =	simm.s32 $_size_execute0_lowered;
	s2 =	sadd.s32 s2, s4;
	[dreg:$0x0] =	wrdreg $0x0  }
0xa8: {  	s4 =	sshll.u32 s28, $0x1;
	[dreg:$0x2] =	wrdreg s2  }
0xa9: {  	[dreg:$0x3] =	wrdreg s4  }
0xaa: {  	[dreg:$0x4] =	wrdreg $0xC0  }
0xab: {  	_ =	task [dreg:s6], $0x5FFFF  }
0xac: {  	[dreg:$0x1] =	wrdreg $0xFFFFFFFF  }
0xad: {  	[dreg:$0x0] =	wrdreg $0x60  }
0xae: {  	[dreg:$0x2] =	wrdreg s24  }
0xaf: {  	[dreg:$0x3] =	wrdreg $0xBF000  }
0xb0: {  	[dreg:$0x4] =	wrdreg $0x13D800  }
0xb1: {  	[dreg:$0x5] =	wrdreg $0x9  }
0xb2: {  	_ =	task.clear_ibuf [dreg:s6], $0x6FFFF;
	_ =	strace $0x90000046  }
0xb3: {  	s29 =	simm.s32 $0x9;
	_ =	strace $0x8000004C  }
0xb4: {  	_ =	swait.ge [sflag:s29], $0x1  }
0xb5: {  	[sflag:s29] =	ssyncadd.s32 $0xFFFFFFFF  }
0xb6: {  	_ =	strace $0x9000004C  }
0xb7: {  	_ =	sfence  }
0xb8: {  	s30 =	sld [smem:$0x0];
	_ =	sdelay $0x2  }
0xb9: {  	s31 =	sshll.u32 s1, $0xD;
	s1 =	sshrl.u32 s1, $0x2  }
0xba: {  	s3 =	sand.u32 $0x4000, s31;
	s1 =	sadd.s32 s1, s30  }
0xbb: {  	s0 =	sor.u32 s3, s0;
	s1 =	sshll.u32 s1, $0x11  }
0xbc: {  	s0 =	sor.u32 s1, s0  }
0xbd: {  	s0 =	sadd.s32 $0x8F2B, s0  }
0xbe: {  	[sflag:s0] =	ssyncadd.remote.s32 $0x1  }
0xbf: {  	_ =	sfence.sel $0xFFFF  }
0xc0: {  	[dreg:$0x0] =	wrdreg $0xFFFFFFFF;
	(pc) =	sbr.abs _section_cstart, $3  }
0xc1: {  	[dreg:$0x1] =	wrdreg $0xFFFFFFFF  }
0xc2: {  	_ =	task.clear_ibuf [dreg:s6], $0x2FFFF;
	_ =	strace $0x9FFFFFFF  }
0xc3: {  	(tm) =	ssettm $0x7FFFFFFF  }
tec
execute0_lowered:
.L_overlay_start_1:
0x0: {  	(tag) =	ssettag $0x1  }
0x1: {  	s6 =	rddreg [dreg:$0x0]  }
0x2: {  	s2 =	rddreg [dreg:$0x1]  }
0x3: {  	s3 =	rddreg [dreg:$0x2]  }
0x4: {  	s0 =	rddreg [dreg:$0x3];
	s1 =	stileid.u32  }
0x5: {  	s5 =	srdreg.scid;
	s4 =	simm.s32 $0x0;
	s15 =	simm.s32 $0x80  }
0x6: {  	s16 =	simm.s32 $0x5000;
	s17 =	simm.s32 $0x6000;
	s18 =	simm.s32 $0x7000  }
0x7: {  	s19 =	simm.s32 $0x11600;
	s20 =	simm.s32 $0x1;
	s21 =	simm.s32 $0x10E00  }
0x8: {  	s22 =	simm.s32 $0x2;
	s23 =	simm.s32 $0x4F00;
	s7 =	smul.u32 $0x2800, s1  }
0x9: {  	s24 =	simm.s32 $0x4F80;
	s25 =	simm.s32 $0x0;
	s9 =	smul.u32 $0x4F00, s1  }
0xa: {  	s8 =	sand.u32 $0x1, s5;
	[smem:$0x7FF] =	sst s4;
	s12 =	smul.u32 $0x2780, s1  }
0xb: {  	s5 =	sadd.s32 $0x1400, s6;
	s10 =	smul.u32 $0x4F000, s8;
	p0 =	seq.s32 s8, $0x0  }
0xc: {  	s30 =	smul.u32 $0x27800, s8;
	s8 =	ssub.s32 $0x2, s8;
	s11 =	sadd.s32 $0x28000, s7  }
0xd: {  	_ =	strace $0x80000047;
	s31 =	sshrl.u32 s8, $0x1;
	s11 =	smov.u32 @p0 s7  }
0xe: {  	s10 =	sadd.s32 s9, s10;
	s7 =	sadd.s32 s12, s30;
	s14 =	ssub.s32 s8, s31  }
0xf: {  	s8 =	sadd.s32 s9, s2;
	s9 =	sadd.s32 s12, s3;
	s11 =	sshrl.u32 s11, $0x3  }
0x10: {  	s10 =	sshrl.u32 s10, $0x3;
	s7 =	sshrl.u32 s7, $0x3;
	s12 =	smax.u32 s14, $0x1  }
0x11: {  	s14 =	simm.s32 $0x2800;
	s11 =	sadd.s32 s11, s6;
	s10 =	sadd.s32 s10, s6  }
0x12: {  	s13 =	sadd.s32 s7, s6;
	s6 =	sadd.s32 $0x15400, s11;
	s7 =	sadd.s32 $0xB200, s11  }
0x13: {  	v0 =	vimm.f32 $0.0e+00;
	v1 =	vimm.f32 $1.000000000e+00;
	s10 =	sadd.s32 $0x1F600, s10;
	s11 =	sadd.s32 $0x33200, s13;
	s13 =	simm.s32 $0x3  }
.LBB2_1:
0x14: {  	_ =	strace $0x80000048  }
0x15: {  	[tilespmem:s4], [sflag:$0x3] =	stream.linear.gather [hbm4b:s6+s4], $0x2800, $0x200038;
	[tilespmem:$0x16500] =	vst v63  }
0x16: {  	_ =	swait.ge [sflag:s13], $0x2800  }
0x17: {  	[sflag:s13] =	ssyncset.done $0x0  }
0x18: {  	[sflag:s13] =	ssyncadd.s32 $0xFFFFD800  }
0x19: {  	[tilespmem:s14], [sflag:$0x3] =	stream.linear.gather [hbm4b:s7+s4], $0x2800, $0x200038;
	[tilespmem:$0x16500] =	vst v63  }
0x1a: {  	_ =	swait.ge [sflag:s13], $0x2800  }
0x1b: {  	[sflag:s13] =	ssyncset.done $0x0  }
0x1c: {  	[sflag:s13] =	ssyncadd.s32 $0xFFFFD800  }
0x1d: {  	[tilespmem:s16], [sflag:$0x1] =	stream.indirect.gather [hbm4b:s5+s15], $0x20, s4, s15, $0x2000b8;
	[tilespmem:$0x16500] =	vst v63  }
0x1e: {  	_ = 	snop  }
0x1f: {  	[tilespmem:s17], [sflag:$0x2] =	stream.indirect.gather [hbm4b:s5+s15], $0x20, s15, s15, $0x2000b8;
	[tilespmem:$0x16500] =	vst v63  }
0x20: {  	s26 =	simm.s32 $0x7010;
	_ =	strace $0x90000048  }
0x21: {  	_ =	strace $0x80000049;
	[tilespmem:s26+$0xFFFFFFF0] =	vst v0  }
0x22: {  	s28 =	simm.s32 $0x40;
	s29 =	simm.s32 $0x0;
	[tilespmem:s26+$0x0] =	vst v0  }
.LBB2_2:
0x23: {  	p0 =	sne.s32 s28, $0x9DC0  }
0x24: {  	[tilespmem:s29+$0x11600] =	vst v0;
	s26 =	sadd.s32 $0x20, s26;
	s29 =	smov.u32 s28;
	s28 =	sadd.s32 $0x40, s28  }
.Ltmp0:
0x25: {  	[tilespmem:s26+$0xFFFFFFF0] =	vst v0;
	(pc) =	sbr.rel @p0 .LBB2_2-.Ltmp0, $2  }
0x26: {  	_ =	sdelay $0x2  }
0x27: {  	s29 =	sshra.s32 s29, $0x2;
	[tilespmem:s26+$0x0] =	vst v0  }
0x28: {  	[tilespmem:s29+$0x11600] =	vst v0  }
0x29: {  	[spmem:s8] =	stream.linear.scatter [tilespmem:s18], [sflag:$0x3], $0x4F00, $0x200038;
	[tilespmem:$0x16500] =	vst v63  }
0x2a: {  	_ =	swait.ge [sflag:s13], $0x4F00  }
0x2b: {  	[sflag:s13] =	ssyncset.done $0x0  }
0x2c: {  	s26 =	simm.s32 $0x40;
	s28 =	simm.s32 $0x0;
	[sflag:s13] =	ssyncadd.s32 $0xFFFFB100  }
.LBB2_4:
0x2d: {  	p0 =	sne.s32 s26, $0x1FC0;
	[tilespmem:s28+$0x10E00] =	vst v1;
	s28 =	smov.u32 s26;
	s26 =	sadd.s32 $0x40, s26  }
.Ltmp1:
0x2e: {  	(pc) =	sbr.rel @p0 .LBB2_4-.Ltmp1, $2  }
0x2f: {  	_ =	sdelay $0x2  }
0x30: {  	s28 =	sshra.s32 s28, $0x2  }
0x31: {  	[tilespmem:s28+$0x10E00] =	vst v1  }
0x32: {  	[spmem:s9] =	stream.linear.scatter [tilespmem:s19], [sflag:$0x3], $0x2780, $0x200038;
	[tilespmem:$0x16500] =	vst v63  }
0x33: {  	_ =	swait.ge [sflag:s13], $0x2780  }
0x34: {  	[sflag:s13] =	ssyncset.done $0x0  }
0x35: {  	[sflag:s13] =	ssyncadd.s32 $0xFFFFD880  }
0x36: {  	[bflag:$0x0] =	sbarrier.arrive $0xFFFF  }
0x37: {  	_ =	strace $0x90000049  }
0x38: {  	_ =	strace $0x8000004A  }
0x39: {  	_ =	swait.ge [sflag:s20], $0x1000  }
0x3a: {  	[sflag:s20] =	ssyncset.done $0x0  }
0x3b: {  	s26 =	simm.s32 $0x2800;
	[sflag:s20] =	ssyncadd.s32 $0xFFFFF000  }
0x3c: {  	[spmem:s2] =	stream.indirect.scatter.add.f32 [tilespmem:s16], [sflag:$0x3], $0x20, s26, s15, $0x2000b8;
	[tilespmem:$0x16500] =	vst v63  }
0x3d: {  	_ =	swait.ge [sflag:s13], $0x1000  }
0x3e: {  	[sflag:s13] =	ssyncset.done $0x0  }
0x3f: {  	[sflag:s13] =	ssyncadd.s32 $0xFFFFF000  }
0x40: {  	[spmem:s3] =	stream.indirect.scatter.add.f32 [tilespmem:s21], [sflag:$0x3], $0x10, s26, s15, $0x2000b8;
	[tilespmem:$0x16500] =	vst v63  }
0x41: {  	_ =	swait.ge [sflag:s13], $0x800  }
0x42: {  	[sflag:s13] =	ssyncset.done $0x0  }
0x43: {  	s30 =	simm.s32 $0x100;
	[sflag:s13] =	ssyncadd.s32 $0xFFFFF800  }
0x44: {  	[tilespmem:s16], [sflag:$0x1] =	stream.indirect.gather [hbm4b:s5+s15], $0x20, s30, s15, $0x2000b8;
	[tilespmem:$0x16500] =	vst v63  }
0x45: {  	_ =	swait.ge [sflag:s22], $0x1000  }
0x46: {  	[sflag:s22] =	ssyncset.done $0x0  }
0x47: {  	s31 =	simm.s32 $0x2880;
	[sflag:s22] =	ssyncadd.s32 $0xFFFFF000  }
0x48: {  	[spmem:s2] =	stream.indirect.scatter.add.f32 [tilespmem:s17], [sflag:$0x3], $0x20, s31, s15, $0x2000b8;
	[tilespmem:$0x16500] =	vst v63  }
0x49: {  	_ =	swait.ge [sflag:s13], $0x1000  }
0x4a: {  	[sflag:s13] =	ssyncset.done $0x0  }
0x4b: {  	[sflag:s13] =	ssyncadd.s32 $0xFFFFF000  }
0x4c: {  	[spmem:s3] =	stream.indirect.scatter.add.f32 [tilespmem:s21], [sflag:$0x3], $0x10, s31, s15, $0x2000b8;
	[tilespmem:$0x16500] =	vst v63  }
0x4d: {  	_ =	swait.ge [sflag:s13], $0x800  }
0x4e: {  	[sflag:s13] =	ssyncset.done $0x0  }
0x4f: {  	s28 =	simm.s32 $0x180;
	s26 =	simm.s32 $0x400;
	[sflag:s13] =	ssyncadd.s32 $0xFFFFF800  }
.LBB2_6:
0x50: {  	[tilespmem:s17], [sflag:$0x2] =	stream.indirect.gather [hbm4b:s5+s15], $0x20, s28, s15, $0x2000b8;
	[tilespmem:$0x16500] =	vst v63  }
0x51: {  	s28 =	smov.u32 s26  }
0x52: {  	p0 =	sne.s32 s26, $0x9800;
	s26 =	sadd.s32 $0x400, s26;
	_ =	swait.ge [sflag:s20], $0x1000  }
0x53: {  	s28 =	sshra.s32 s28, $0x2;
	[sflag:s20] =	ssyncset.done $0x0  }
0x54: {  	s29 =	sadd.s32 $0x2800, s28;
	[sflag:s20] =	ssyncadd.s32 $0xFFFFF000  }
0x55: {  	[spmem:s2] =	stream.indirect.scatter.add.f32 [tilespmem:s16], [sflag:$0x3], $0x20, s29, s15, $0x2000b8;
	[tilespmem:$0x16500] =	vst v63  }
0x56: {  	_ =	swait.ge [sflag:s13], $0x1000  }
0x57: {  	[sflag:s13] =	ssyncset.done $0x0  }
0x58: {  	[sflag:s13] =	ssyncadd.s32 $0xFFFFF000  }
0x59: {  	[spmem:s3] =	stream.indirect.scatter.add.f32 [tilespmem:s21], [sflag:$0x3], $0x10, s29, s15, $0x2000b8;
	[tilespmem:$0x16500] =	vst v63  }
0x5a: {  	_ =	swait.ge [sflag:s13], $0x800  }
0x5b: {  	[sflag:s13] =	ssyncset.done $0x0  }
0x5c: {  	s29 =	sadd.s32 $0x100, s28;
	[sflag:s13] =	ssyncadd.s32 $0xFFFFF800  }
0x5d: {  	[tilespmem:s16], [sflag:$0x1] =	stream.indirect.gather [hbm4b:s5+s15], $0x20, s29, s15, $0x2000b8;
	[tilespmem:$0x16500] =	vst v63  }
0x5e: {  	_ =	swait.ge [sflag:s22], $0x1000  }
0x5f: {  	[sflag:s22] =	ssyncset.done $0x0  }
0x60: {  	s29 =	sadd.s32 $0x2880, s28;
	[sflag:s22] =	ssyncadd.s32 $0xFFFFF000  }
0x61: {  	[spmem:s2] =	stream.indirect.scatter.add.f32 [tilespmem:s17], [sflag:$0x3], $0x20, s29, s15, $0x2000b8;
	[tilespmem:$0x16500] =	vst v63  }
0x62: {  	_ =	swait.ge [sflag:s13], $0x1000  }
0x63: {  	[sflag:s13] =	ssyncset.done $0x0  }
.Ltmp2:
0x64: {  	[sflag:s13] =	ssyncadd.s32 $0xFFFFF000;
	(pc) =	sbr.rel @p0 .LBB2_6-.Ltmp2, $4  }
0x65: {  	[spmem:s3] =	stream.indirect.scatter.add.f32 [tilespmem:s21], [sflag:$0x3], $0x10, s29, s15, $0x2000b8;
	[tilespmem:$0x16500] =	vst v63  }
0x66: {  	_ =	swait.ge [sflag:s13], $0x800  }
0x67: {  	[sflag:s13] =	ssyncset.done $0x0  }
0x68: {  	s28 =	sadd.s32 $0x180, s28;
	[sflag:s13] =	ssyncadd.s32 $0xFFFFF800  }
0x69: {  	[tilespmem:s17], [sflag:$0x2] =	stream.indirect.gather [hbm4b:s5+s15], $0x20, s28, s15, $0x2000b8;
	[tilespmem:$0x16500] =	vst v63  }
0x6a: {  	_ =	swait.ge [sflag:s20], $0x1000  }
0x6b: {  	[sflag:s20] =	ssyncset.done $0x0  }
0x6c: {  	[sflag:s20] =	ssyncadd.s32 $0xFFFFF000  }
0x6d: {  	[spmem:s2] =	stream.indirect.scatter.add.f32 [tilespmem:s16], [sflag:$0x3], $0x20, s23, s15, $0x2000b8;
	[tilespmem:$0x16500] =	vst v63  }
0x6e: {  	_ =	swait.ge [sflag:s13], $0x1000  }
0x6f: {  	[sflag:s13] =	ssyncset.done $0x0  }
0x70: {  	[sflag:s13] =	ssyncadd.s32 $0xFFFFF000  }
0x71: {  	[spmem:s3] =	stream.indirect.scatter.add.f32 [tilespmem:s21], [sflag:$0x3], $0x10, s23, s15, $0x2000b8;
	[tilespmem:$0x16500] =	vst v63  }
0x72: {  	_ =	swait.ge [sflag:s13], $0x800  }
0x73: {  	[sflag:s13] =	ssyncset.done $0x0  }
0x74: {  	[sflag:s13] =	ssyncadd.s32 $0xFFFFF800  }
0x75: {  	_ =	swait.ge [sflag:s22], $0x1000  }
0x76: {  	[sflag:s22] =	ssyncset.done $0x0  }
0x77: {  	[sflag:s22] =	ssyncadd.s32 $0xFFFFF000  }
0x78: {  	[spmem:s2] =	stream.indirect.scatter.add.f32 [tilespmem:s17], [sflag:$0x3], $0x20, s24, s15, $0x2000b8;
	[tilespmem:$0x16500] =	vst v63  }
0x79: {  	_ =	swait.ge [sflag:s13], $0x1000  }
0x7a: {  	[sflag:s13] =	ssyncset.done $0x0  }
0x7b: {  	[sflag:s13] =	ssyncadd.s32 $0xFFFFF000  }
0x7c: {  	[spmem:s3] =	stream.indirect.scatter.add.f32 [tilespmem:s21], [sflag:$0x3], $0x10, s24, s15, $0x2000b8;
	[tilespmem:$0x16500] =	vst v63  }
0x7d: {  	_ =	swait.ge [sflag:s13], $0x800  }
0x7e: {  	[sflag:s13] =	ssyncset.done $0x0  }
0x7f: {  	[sflag:s13] =	ssyncadd.s32 $0xFFFFF800  }
0x80: {  	[bflag:$0x0] =	sbarrier.arrive $0xFFFF  }
0x81: {  	_ =	strace $0x9000004A  }
0x82: {  	_ =	strace $0x8000004B  }
0x83: {  	[tilespmem:s18], [sflag:$0x3] =	stream.linear.gather [spmem:s8], $0x4F00, $0x200038;
	[tilespmem:$0x16500] =	vst v63  }
0x84: {  	_ =	swait.ge [sflag:s13], $0x4F00  }
0x85: {  	[sflag:s13] =	ssyncset.done $0x0  }
0x86: {  	[sflag:s13] =	ssyncadd.s32 $0xFFFFB100  }
0x87: {  	[hbm4b:s10+s4] =	stream.linear.scatter [tilespmem:s18], [sflag:$0x3], $0x4F00, $0x200038;
	[tilespmem:$0x16500] =	vst v63  }
0x88: {  	_ =	swait.ge [sflag:s13], $0x4F00  }
0x89: {  	[sflag:s13] =	ssyncset.done $0x0  }
0x8a: {  	[sflag:s13] =	ssyncadd.s32 $0xFFFFB100  }
0x8b: {  	[tilespmem:s19], [sflag:$0x3] =	stream.linear.gather [spmem:s9], $0x2780, $0x200038;
	[tilespmem:$0x16500] =	vst v63  }
0x8c: {  	_ =	swait.ge [sflag:s13], $0x2780  }
0x8d: {  	s25 =	sadd.s32 $0x1, s25;
	[sflag:s13] =	ssyncset.done $0x0  }
0x8e: {  	p0 =	sne.s32 s25, s12;
	[sflag:s13] =	ssyncadd.s32 $0xFFFFD880  }
0x8f: {  	[hbm4b:s11+s4] =	stream.linear.scatter [tilespmem:s19], [sflag:$0x3], $0x2780, $0x200038;
	[tilespmem:$0x16500] =	vst v63  }
.Ltmp3:
0x90: {  	_ = 	snop;
	(pc) =	sbr.rel @p0 .LBB2_1-.Ltmp3, $4  }
0x91: {  	_ =	swait.ge [sflag:s13], $0x2780  }
0x92: {  	[sflag:s13] =	ssyncset.done $0x0  }
0x93: {  	[sflag:s13] =	ssyncadd.s32 $0xFFFFD880  }
0x94: {  	_ =	strace $0x9000004B  }
0x95: {  	_ =	sfence.sel $0x180000  }
0x96: {  	[bflag:$0x0] =	sbarrier.arrive $0xFFFF  }
0x97: {  	p0 =	sne.s32 s1, $0x0;
	_ =	strace $0x90000047  }
0x98: {  	s0 =	sadd.s32 @!p0 $0x100000, s0;
	[bflag:$0x2] =	sbarrier.arrive $0xFFFF  }
0x99: {  	[sflag:s0] =	ssyncadd.tile.s32 @!p0 $0x1;
	_ =	shalt  }
.Lfunc_end2:
_tile_overlayer_lowered:
.L_overlay_start_2:
0x9a: {  	(tag) =	ssettag $0x2  }
0x9b: {  	s0 =	rddreg [dreg:$0x0];
	s2 =	stileid.u32  }
0x9c: {  	s1 =	rddreg [dreg:$0x1];
	p0 =	sne.s32 s2, $0x0  }
0x9d: {  	s3 =	rddreg [dreg:$0x2];
	[bflag:$0x3] =	sbarrier.arrive $0xFFFF;
	s2 =	simm.s32 @!p0 $0x1C03  }
0x9e: {  	[timem:s3], [sflag:s2] =	dma.local @!p0 [hbm:s0], s1  }
0x9f: {  	s0 =	simm.s32 @!p0 $0x3  }
0xa0: {  	_ =	swait.ge @!p0 [sflag:s0], s1  }
0xa1: {  	s1 =	ssub.s32 @!p0 $0x0, s1;
	[sflag:s0] =	ssyncset.done @!p0 $0x0  }
0xa2: {  	[sflag:s0] =	ssyncadd.s32 @!p0 s1  }
0xa3: {  	[bflag:$0x3] =	sbarrier.arrive $0xFFFF  }
0xa4: {  	_ =	shalt  }

</sc_bundles>
